<compile_context>
chip_gen: v7x
topology: tpu7x:2x2x1
jax: 0.10.2.dev20260603
libtpu: 0.0.44.dev20260713+nightly
codegen_flags: <defaults>
</compile_context>

<pallas_src>
import functools

import jax
import jax.numpy as jnp
from jax import lax
from jax.experimental import pallas as pl
from jax.experimental.pallas import tpu as pltpu
from jax.experimental.pallas import tpu_sc as plsc

_N = 1000
_D = 32
_E = 100
_EPAD = 128
_ROWS = 1024
_EPW = 8
_W = 128

_mesh = plsc.VectorSubcoreMesh(core_axis_name="c", subcore_axis_name="s",
                               num_cores=2, num_subcores=16)


@functools.partial(
    pl.kernel,
    out_type=(jax.ShapeDtypeStruct((_ROWS, _W), jnp.float32),
              jax.ShapeDtypeStruct((_ROWS, _W), jnp.float32)),
    mesh=_mesh,
    scratch_types=[
        pltpu.VMEM((_EPW,), jnp.int32),
        pltpu.VMEM((_EPW,), jnp.int32),
        pltpu.VMEM((_EPW, _W), jnp.float32),
        pltpu.VMEM((_EPW, _W), jnp.float32),
        pltpu.VMEM_SHARED((_ROWS, _W), jnp.float32),
        pltpu.SemaphoreType.DMA,
        pltpu.SemaphoreType.DMA,
        pltpu.SemaphoreType.DMA,
        pltpu.SemaphoreType.DMA,
    ],
)
def _sc_aggr(feats, edges, outp, outn,
             src_v, dst_v, z8, rows_v, acc, sema, semb, semc, semd):
    c = lax.axis_index("c")
    s = lax.axis_index("s")
    ebase = c * _EPAD + s * _EPW
    cpd = pltpu.async_copy(edges.at[pl.ds(2 * _EPAD + ebase, _EPW)], dst_v, semb)
    cps = pltpu.async_copy(edges.at[pl.ds(ebase, _EPW)], src_v, sema)

    def _zrow(i, carry):
        for j in range(_W // 16):
            z8[i, pl.ds(16 * j, 16)] = jnp.zeros((16,), jnp.float32)
        return carry

    lax.fori_loop(0, _EPW, _zrow, 0)
    cpd.wait()
    zs = pltpu.async_copy(z8, acc.at[dst_v], semd)
    cps.wait()
    pltpu.async_copy(feats.at[src_v], rows_v, semc).wait()
    zs.wait()

    plsc.subcore_barrier()
    pltpu.sync_copy(rows_v, acc.at[dst_v], add=True)
    plsc.subcore_barrier()

    pltpu.async_copy(acc.at[dst_v], rows_v, semc).wait()

    @pl.when(c == 0)
    def _ep():
        pltpu.sync_copy(rows_v, outp.at[dst_v])

    @pl.when(c == 1)
    def _en():
        pltpu.sync_copy(rows_v, outn.at[dst_v])


def _dott(a, bt):
    return jax.lax.dot_general(a, bt, (((1,), (1,)), ((), ())),
                               preferred_element_type=jnp.float32)


def _tc1_body(sp_ref, sn_ref, xp_ref, ed_ref,
              w1pl_ref, w1pr_ref, b1p_ref, w1nl_ref, w1nr_ref, b1n_ref,
              z_ref, inv_ref):
    f32 = jnp.float32
    x = xp_ref[0:_N, 0:_D]
    psum = sp_ref[0:_N, 0:_D]
    nsum = sn_ref[0:_N, 0:_D]
    iota = lax.broadcasted_iota(jnp.int32, (_N, _EPAD), 0)
    cp = jnp.sum((iota == ed_ref[2:3, :]).astype(f32), axis=1, keepdims=True)
    cn = jnp.sum((iota == ed_ref[3:4, :]).astype(f32), axis=1, keepdims=True)
    ip = 1.0 / jnp.maximum(cp, 1.0)
    im = 1.0 / jnp.maximum(cn, 1.0)
    aggp = jnp.where(cp > 0.0, psum * ip, 0.0)
    aggn = jnp.where(cn > 0.0, nsum * im, 0.0)
    h = jnp.concatenate([aggp, aggn, x], axis=-1)
    zdd = jnp.zeros((_D, _D), f32)
    w1t = jnp.concatenate([
        jnp.concatenate([w1pl_ref[...], zdd], axis=0),
        jnp.concatenate([zdd, w1nl_ref[...]], axis=0),
        jnp.concatenate([w1pr_ref[...], w1nr_ref[...]], axis=0),
    ], axis=1)
    b1 = jnp.concatenate([b1p_ref[...], b1n_ref[...]], axis=-1)
    z = jnp.maximum(_dott(h, w1t) + b1, 0.0)
    z_ref[...] = jnp.concatenate(
        [z, jnp.zeros((_N, _W - 2 * _D), f32)], axis=-1)
    inv_ref[...] = jnp.concatenate([jnp.where(cp > 0.0, ip, 0.0),
                                    jnp.where(cn > 0.0, im, 0.0)], axis=-1)


def _tc2_body(sp_ref, sn_ref, z_ref, inv_ref,
              w2pl_ref, w2pr_ref, b2p_ref, w2nl_ref, w2nr_ref, b2n_ref,
              out_ref):
    f32 = jnp.float32
    z = z_ref[0:_N, 0:2 * _D]
    ip = inv_ref[:, 0:1]
    im = inv_ref[:, 1:2]
    bp = jnp.where(ip > 0.0, sp_ref[0:_N, 0:2 * _D] * ip, 0.0)
    bn = jnp.where(im > 0.0, sn_ref[0:_N, 0:2 * _D] * im, 0.0)
    h = jnp.concatenate([bp, bn, z], axis=-1)
    zdd = jnp.zeros((_D, _D), f32)
    w2pl = w2pl_ref[...]
    w2nl = w2nl_ref[...]
    w2t = jnp.concatenate([
        jnp.concatenate([w2pl[:, 0:_D], zdd], axis=0),
        jnp.concatenate([zdd, w2nl[:, 0:_D]], axis=0),
        jnp.concatenate([zdd, w2nl[:, _D:]], axis=0),
        jnp.concatenate([w2pl[:, _D:], zdd], axis=0),
        jnp.concatenate([w2pr_ref[...], zdd], axis=0),
        jnp.concatenate([zdd, w2nr_ref[...]], axis=0),
    ], axis=1)
    b2 = jnp.concatenate([b2p_ref[...], b2n_ref[...]], axis=-1)
    out_ref[...] = jnp.maximum(_dott(h, w2t) + b2, 0.0)


def kernel(x, pos_edge_index, neg_edge_index,
           w1_pos_l, w1_pos_r, b1_pos_r,
           w1_neg_l, w1_neg_r, b1_neg_r,
           w2_pos_l, w2_pos_r, b2_pos_r,
           w2_neg_l, w2_neg_r, b2_neg_r):
    f32 = jnp.float32
    pe = pos_edge_index.astype(jnp.int32)
    ne = neg_edge_index.astype(jnp.int32)
    pad_s = jnp.zeros((_EPAD - _E,), jnp.int32)
    pad_d = jnp.full((_EPAD - _E,), _N, jnp.int32)
    edges = jnp.concatenate([pe[0], pad_s, ne[0], pad_s,
                             pe[1], pad_d, ne[1], pad_d])
    edges2d = edges.reshape(4, _EPAD)
    x_pad = jnp.pad(x, ((0, 0), (0, _W - _D)))
    b1p = b1_pos_r.reshape(1, _D)
    b1n = b1_neg_r.reshape(1, _D)
    b2p = b2_pos_r.reshape(1, _D)
    b2n = b2_neg_r.reshape(1, _D)

    s1p, s1n = _sc_aggr(x_pad, edges)
    z_pad, inv = pl.pallas_call(
        _tc1_body,
        out_shape=(jax.ShapeDtypeStruct((_N, _W), f32),
                   jax.ShapeDtypeStruct((_N, 2), f32)),
    )(s1p, s1n, x_pad, edges2d,
      w1_pos_l, w1_pos_r, b1p, w1_neg_l, w1_neg_r, b1n)
    s2p, s2n = _sc_aggr(z_pad, edges)
    return pl.pallas_call(
        _tc2_body,
        out_shape=jax.ShapeDtypeStruct((_N, 2 * _D), f32),
    )(s2p, s2n, z_pad, inv, w2_pos_l, w2_pos_r, b2p, w2_neg_l, w2_neg_r, b2n)

# --- scband reference (transcript-rebuilt; emitter-appended) ---
"""Pipeline reference for scband-graph-module-59012850647678 (READ-ONLY COPY).

The authoritative reference and input builder live on the scoring server;
editing this copy changes nothing except your own understanding.
"""

import jax, jax.numpy as jnp
import numpy as np

N = 1000
D = 32
E = 100

def mean_aggr(x, edge_index):
    src = edge_index[0]
    dst = edge_index[1]
    x_j = jnp.take(x, src, axis=0)
    count = jnp.zeros((N,), x.dtype).at[dst].add(jnp.ones((src.shape[0],), x.dtype))
    count = jnp.clip(count, 1.0)
    out = jnp.zeros((N, x.shape[-1]), x.dtype).at[dst].add(x_j)
    return out / count[:, None]

def setup_inputs(seed: int = 0):
    key = jax.random.key(seed)
    ks = jax.random.split(key, 16)
    sc = 0.1
    inp = {}
    inp['x'] = jax.random.normal(ks[0], (N, D), dtype=jnp.float32)
    inp['pos_edge_index'] = jax.random.randint(ks[1], (2, E), 0, N)
    inp['neg_edge_index'] = jax.random.randint(ks[2], (2, E), 0, N)
    inp['w1_pos_l'] = jax.random.normal(ks[3], (D, D), dtype=jnp.float32) * sc
    inp['w1_pos_r'] = jax.random.normal(ks[4], (D, D), dtype=jnp.float32) * sc
    inp['b1_pos_r'] = jax.random.normal(ks[5], (D,), dtype=jnp.float32) * sc
    inp['w1_neg_l'] = jax.random.normal(ks[6], (D, D), dtype=jnp.float32) * sc
    inp['w1_neg_r'] = jax.random.normal(ks[7], (D, D), dtype=jnp.float32) * sc
    inp['b1_neg_r'] = jax.random.normal(ks[8], (D,), dtype=jnp.float32) * sc
    inp['w2_pos_l'] = jax.random.normal(ks[9], (D, 2 * D), dtype=jnp.float32) * sc
    inp['w2_pos_r'] = jax.random.normal(ks[10], (D, D), dtype=jnp.float32) * sc
    inp['b2_pos_r'] = jax.random.normal(ks[11], (D,), dtype=jnp.float32) * sc
    inp['w2_neg_l'] = jax.random.normal(ks[12], (D, 2 * D), dtype=jnp.float32) * sc
    inp['w2_neg_r'] = jax.random.normal(ks[13], (D, D), dtype=jnp.float32) * sc
    inp['b2_neg_r'] = jax.random.normal(ks[14], (D,), dtype=jnp.float32) * sc
    return inp

def reference(x, pos_edge_index, neg_edge_index,
              w1_pos_l, w1_pos_r, b1_pos_r,
              w1_neg_l, w1_neg_r, b1_neg_r,
              w2_pos_l, w2_pos_r, b2_pos_r,
              w2_neg_l, w2_neg_r, b2_neg_r):
    # Layer 1 (SignedConv, first_aggr=True)
    out_pos = mean_aggr(x, pos_edge_index) @ w1_pos_l.T + (x @ w1_pos_r.T + b1_pos_r)
    out_neg = mean_aggr(x, neg_edge_index) @ w1_neg_l.T + (x @ w1_neg_r.T + b1_neg_r)
    z = jax.nn.relu(jnp.concatenate([out_pos, out_neg], axis=-1))
    # Layer 2 (SignedConv, first_aggr=False)
    x1 = z[..., :D]
    x2 = z[..., D:]
    out_pos1 = mean_aggr(x1, pos_edge_index)
    out_pos2 = mean_aggr(x2, neg_edge_index)
    out_pos_2 = jnp.concatenate([out_pos1, out_pos2], axis=-1) @ w2_pos_l.T + (x1 @ w2_pos_r.T + b2_pos_r)
    out_neg1 = mean_aggr(x2, pos_edge_index)
    out_neg2 = mean_aggr(x1, neg_edge_index)
    out_neg_2 = jnp.concatenate([out_neg1, out_neg2], axis=-1) @ w2_neg_l.T + (x2 @ w2_neg_r.T + b2_neg_r)
    return jax.nn.relu(jnp.concatenate([out_pos_2, out_neg_2], axis=-1))

if __name__ == "__main__":
    import jax
    _d = setup_inputs()
    print(jax.jit(kernel)(*tuple(_d.values())))

</pallas_src>

<mosaic_0001>
#map = affine_map<(d0, d1) -> (0, 0)>
#map1 = affine_map<(d0, d1) -> (0)>
module attributes {stable_mosaic.version = 14 : i64} {
  func.func @_sc_aggr(%arg0: i32, %arg1: i32, %arg2: memref<1000x128xf32, #tpu.memory_space<hbm>>, %arg3: memref<512xi32, #tpu.memory_space<hbm>>, %arg4: memref<1024x128xf32, #tpu.memory_space<hbm>>, %arg5: memref<1024x128xf32, #tpu.memory_space<hbm>>, %arg6: memref<8xi32, #tpu.memory_space<vmem>>, %arg7: memref<8xi32, #tpu.memory_space<vmem>>, %arg8: memref<8x128xf32, #tpu.memory_space<vmem>>, %arg9: memref<8x128xf32, #tpu.memory_space<vmem>>, %arg10: memref<1024x128xf32, #tpu.memory_space<vmem_shared>>, %arg11: memref<!tpu.dma_semaphore, #tpu.memory_space<semaphore_mem>>, %arg12: memref<!tpu.dma_semaphore, #tpu.memory_space<semaphore_mem>>, %arg13: memref<!tpu.dma_semaphore, #tpu.memory_space<semaphore_mem>>, %arg14: memref<!tpu.dma_semaphore, #tpu.memory_space<semaphore_mem>>) attributes {dimension_semantics = [#tpu.dimension_semantics<core_parallel>, #tpu.dimension_semantics<subcore_parallel>], iteration_bounds = array<i64: 2, 16>, scalar_prefetch = 0 : i64, scratch_operands = 9 : i64, tpu.core_type = #tpu.core_type<sc_vector_subcore>, window_params = [{transform_indices = #map}, {transform_indices = #map1}, {transform_indices = #map}, {transform_indices = #map}]} {
    %mul3A = arith.constant 128 : i32
    %mul3A_0 = arith.muli %arg0, %mul3A : i32
    %mul3A_1 = arith.constant 8 : i32
    %mul3A_2 = arith.muli %arg1, %mul3A_1 : i32
    %add3A = arith.addi %mul3A_0, %mul3A_2 : i32
    %add3A_3 = arith.constant 256 : i32
    %add3A_4 = arith.addi %add3A_3, %add3A : i32
    %dma_start3A = tpu.memref_slice %arg3[%add3A_4] : memref<512xi32, #tpu.memory_space<hbm>> -> memref<8xi32, #tpu.memory_space<hbm>>
    %dma_start3A_5 = tpu.memref_slice %arg3[%add3A_4] : memref<512xi32, #tpu.memory_space<hbm>> -> memref<8xi32, #tpu.memory_space<hbm>>
    tpu.enqueue_dma source(%dma_start3A_5 : memref<8xi32, #tpu.memory_space<hbm>>) target(%arg7 : memref<8xi32, #tpu.memory_space<vmem>>) target_semaphore(%arg12 : memref<!tpu.dma_semaphore, #tpu.memory_space<semaphore_mem>>)
    %dma_start3A_6 = tpu.memref_slice %arg3[%add3A] : memref<512xi32, #tpu.memory_space<hbm>> -> memref<8xi32, #tpu.memory_space<hbm>>
    %dma_start3A_7 = tpu.memref_slice %arg3[%add3A] : memref<512xi32, #tpu.memory_space<hbm>> -> memref<8xi32, #tpu.memory_space<hbm>>
    tpu.enqueue_dma source(%dma_start3A_7 : memref<8xi32, #tpu.memory_space<hbm>>) target(%arg6 : memref<8xi32, #tpu.memory_space<vmem>>) target_semaphore(%arg11 : memref<!tpu.dma_semaphore, #tpu.memory_space<semaphore_mem>>)
    %scan3A = arith.constant 0 : i32
    %scan3A_8 = arith.constant 0 : i32
    %scan3A_9 = arith.constant 8 : i32
    %scan3A_10 = arith.addi %scan3A_8, %scan3A_9 : i32
    %scan3A_11 = arith.constant 1 : i32
    scf.for %scan3A_42 = %scan3A_8 to %scan3A_10 step %scan3A_11  : i32 {
      %broadcast_in_dim3A = arith.constant 0.000000e+00 : f32
      %broadcast_in_dim3A_43 = vector.broadcast %broadcast_in_dim3A : f32 to vector<16xf32>
      %swap3A = arith.index_cast %scan3A_42 : i32 to index
      %swap3A_44 = arith.constant 0 : index
      %swap3A_45 = tpu.vector_load %arg8[%swap3A, %swap3A_44] {strides = array<i32>} : memref<8x128xf32, #tpu.memory_space<vmem>>, vector<1x16xf32>,
      %swap3A_46 = vector.shape_cast %swap3A_45 : vector<1x16xf32> to vector<16xf32>
      %swap3A_47 = vector.shape_cast %broadcast_in_dim3A_43 : vector<16xf32> to vector<1x16xf32>
      tpu.vector_store %arg8[%swap3A, %swap3A_44], %swap3A_47 {strides = array<i32>} : memref<8x128xf32, #tpu.memory_space<vmem>>, vector<1x16xf32>,
      %broadcast_in_dim3A_48 = arith.constant 0.000000e+00 : f32
      %broadcast_in_dim3A_49 = vector.broadcast %broadcast_in_dim3A_48 : f32 to vector<16xf32>
      %swap3A_50 = arith.index_cast %scan3A_42 : i32 to index
      %swap3A_51 = arith.constant 16 : index
      %swap3A_52 = tpu.vector_load %arg8[%swap3A_50, %swap3A_51] {strides = array<i32>} : memref<8x128xf32, #tpu.memory_space<vmem>>, vector<1x16xf32>,
      %swap3A_53 = vector.shape_cast %swap3A_52 : vector<1x16xf32> to vector<16xf32>
      %swap3A_54 = vector.shape_cast %broadcast_in_dim3A_49 : vector<16xf32> to vector<1x16xf32>
      tpu.vector_store %arg8[%swap3A_50, %swap3A_51], %swap3A_54 {strides = array<i32>} : memref<8x128xf32, #tpu.memory_space<vmem>>, vector<1x16xf32>,
      %broadcast_in_dim3A_55 = arith.constant 0.000000e+00 : f32
      %broadcast_in_dim3A_56 = vector.broadcast %broadcast_in_dim3A_55 : f32 to vector<16xf32>
      %swap3A_57 = arith.index_cast %scan3A_42 : i32 to index
      %swap3A_58 = arith.constant 32 : index
      %swap3A_59 = tpu.vector_load %arg8[%swap3A_57, %swap3A_58] {strides = array<i32>} : memref<8x128xf32, #tpu.memory_space<vmem>>, vector<1x16xf32>,
      %swap3A_60 = vector.shape_cast %swap3A_59 : vector<1x16xf32> to vector<16xf32>
      %swap3A_61 = vector.shape_cast %broadcast_in_dim3A_56 : vector<16xf32> to vector<1x16xf32>
      tpu.vector_store %arg8[%swap3A_57, %swap3A_58], %swap3A_61 {strides = array<i32>} : memref<8x128xf32, #tpu.memory_space<vmem>>, vector<1x16xf32>,
      %broadcast_in_dim3A_62 = arith.constant 0.000000e+00 : f32
      %broadcast_in_dim3A_63 = vector.broadcast %broadcast_in_dim3A_62 : f32 to vector<16xf32>
      %swap3A_64 = arith.index_cast %scan3A_42 : i32 to index
      %swap3A_65 = arith.constant 48 : index
      %swap3A_66 = tpu.vector_load %arg8[%swap3A_64, %swap3A_65] {strides = array<i32>} : memref<8x128xf32, #tpu.memory_space<vmem>>, vector<1x16xf32>,
      %swap3A_67 = vector.shape_cast %swap3A_66 : vector<1x16xf32> to vector<16xf32>
      %swap3A_68 = vector.shape_cast %broadcast_in_dim3A_63 : vector<16xf32> to vector<1x16xf32>
      tpu.vector_store %arg8[%swap3A_64, %swap3A_65], %swap3A_68 {strides = array<i32>} : memref<8x128xf32, #tpu.memory_space<vmem>>, vector<1x16xf32>,
      %broadcast_in_dim3A_69 = arith.constant 0.000000e+00 : f32
      %broadcast_in_dim3A_70 = vector.broadcast %broadcast_in_dim3A_69 : f32 to vector<16xf32>
      %swap3A_71 = arith.index_cast %scan3A_42 : i32 to index
      %swap3A_72 = arith.constant 64 : index
      %swap3A_73 = tpu.vector_load %arg8[%swap3A_71, %swap3A_72] {strides = array<i32>} : memref<8x128xf32, #tpu.memory_space<vmem>>, vector<1x16xf32>,
      %swap3A_74 = vector.shape_cast %swap3A_73 : vector<1x16xf32> to vector<16xf32>
      %swap3A_75 = vector.shape_cast %broadcast_in_dim3A_70 : vector<16xf32> to vector<1x16xf32>
      tpu.vector_store %arg8[%swap3A_71, %swap3A_72], %swap3A_75 {strides = array<i32>} : memref<8x128xf32, #tpu.memory_space<vmem>>, vector<1x16xf32>,
      %broadcast_in_dim3A_76 = arith.constant 0.000000e+00 : f32
      %broadcast_in_dim3A_77 = vector.broadcast %broadcast_in_dim3A_76 : f32 to vector<16xf32>
      %swap3A_78 = arith.index_cast %scan3A_42 : i32 to index
      %swap3A_79 = arith.constant 80 : index
      %swap3A_80 = tpu.vector_load %arg8[%swap3A_78, %swap3A_79] {strides = array<i32>} : memref<8x128xf32, #tpu.memory_space<vmem>>, vector<1x16xf32>,
      %swap3A_81 = vector.shape_cast %swap3A_80 : vector<1x16xf32> to vector<16xf32>
      %swap3A_82 = vector.shape_cast %broadcast_in_dim3A_77 : vector<16xf32> to vector<1x16xf32>
      tpu.vector_store %arg8[%swap3A_78, %swap3A_79], %swap3A_82 {strides = array<i32>} : memref<8x128xf32, #tpu.memory_space<vmem>>, vector<1x16xf32>,
      %broadcast_in_dim3A_83 = arith.constant 0.000000e+00 : f32
      %broadcast_in_dim3A_84 = vector.broadcast %broadcast_in_dim3A_83 : f32 to vector<16xf32>
      %swap3A_85 = arith.index_cast %scan3A_42 : i32 to index
      %swap3A_86 = arith.constant 96 : index
      %swap3A_87 = tpu.vector_load %arg8[%swap3A_85, %swap3A_86] {strides = array<i32>} : memref<8x128xf32, #tpu.memory_space<vmem>>, vector<1x16xf32>,
      %swap3A_88 = vector.shape_cast %swap3A_87 : vector<1x16xf32> to vector<16xf32>
      %swap3A_89 = vector.shape_cast %broadcast_in_dim3A_84 : vector<16xf32> to vector<1x16xf32>
      tpu.vector_store %arg8[%swap3A_85, %swap3A_86], %swap3A_89 {strides = array<i32>} : memref<8x128xf32, #tpu.memory_space<vmem>>, vector<1x16xf32>,
      %broadcast_in_dim3A_90 = arith.constant 0.000000e+00 : f32
      %broadcast_in_dim3A_91 = vector.broadcast %broadcast_in_dim3A_90 : f32 to vector<16xf32>
      %swap3A_92 = arith.index_cast %scan3A_42 : i32 to index
      %swap3A_93 = arith.constant 112 : index
      %swap3A_94 = tpu.vector_load %arg8[%swap3A_92, %swap3A_93] {strides = array<i32>} : memref<8x128xf32, #tpu.memory_space<vmem>>, vector<1x16xf32>,
      %swap3A_95 = vector.shape_cast %swap3A_94 : vector<1x16xf32> to vector<16xf32>
      %swap3A_96 = vector.shape_cast %broadcast_in_dim3A_91 : vector<16xf32> to vector<1x16xf32>
      tpu.vector_store %arg8[%swap3A_92, %swap3A_93], %swap3A_96 {strides = array<i32>} : memref<8x128xf32, #tpu.memory_space<vmem>>, vector<1x16xf32>,
    }
    %scan3A_12 = arith.constant 8 : i32
    %dma_wait3A = tpu.memref_slice %arg3[%add3A_4] : memref<512xi32, #tpu.memory_space<hbm>> -> memref<8xi32, #tpu.memory_space<hbm>>
    %dma_wait3A_13 = tpu.memref_slice %arg3[%add3A_4] : memref<512xi32, #tpu.memory_space<hbm>> -> memref<8xi32, #tpu.memory_space<hbm>>
    tpu.wait_dma2 semaphore(%arg12 : memref<!tpu.dma_semaphore, #tpu.memory_space<semaphore_mem>>) src(%dma_wait3A_13 : memref<8xi32, #tpu.memory_space<hbm>>) dst(%arg7 : memref<8xi32, #tpu.memory_space<vmem>>)
    %dma_start3A_14 = arith.constant 0 : i32
    %dma_start3A_15 = arith.constant 0 : i32
    %dma_start3A_16 = tpu.memref_slice %arg10[%dma_start3A_14, %dma_start3A_15] : memref<1024x128xf32, #tpu.memory_space<vmem_shared>> -> memref<1024x128xf32, #tpu.memory_space<vmem_shared>>
    tpu.enqueue_indirect_dma source(%arg8 : memref<8x128xf32, #tpu.memory_space<vmem>>) target(%dma_start3A_16 : memref<1024x128xf32, #tpu.memory_space<vmem_shared>>) offsets(%arg7 : memref<8xi32, #tpu.memory_space<vmem>>) semaphore(%arg14 : memref<!tpu.dma_semaphore, #tpu.memory_space<semaphore_mem>>)
    %dma_wait3A_17 = tpu.memref_slice %arg3[%add3A] : memref<512xi32, #tpu.memory_space<hbm>> -> memref<8xi32, #tpu.memory_space<hbm>>
    %dma_wait3A_18 = tpu.memref_slice %arg3[%add3A] : memref<512xi32, #tpu.memory_space<hbm>> -> memref<8xi32, #tpu.memory_space<hbm>>
    tpu.wait_dma2 semaphore(%arg11 : memref<!tpu.dma_semaphore, #tpu.memory_space<semaphore_mem>>) src(%dma_wait3A_18 : memref<8xi32, #tpu.memory_space<hbm>>) dst(%arg6 : memref<8xi32, #tpu.memory_space<vmem>>)
    %dma_start3A_19 = arith.constant 0 : i32
    %dma_start3A_20 = arith.constant 0 : i32
    %dma_start3A_21 = tpu.memref_slice %arg2[%dma_start3A_19, %dma_start3A_20] : memref<1000x128xf32, #tpu.memory_space<hbm>> -> memref<1000x128xf32, #tpu.memory_space<hbm>>
    tpu.enqueue_indirect_dma source(%dma_start3A_21 : memref<1000x128xf32, #tpu.memory_space<hbm>>) target(%arg9 : memref<8x128xf32, #tpu.memory_space<vmem>>) offsets(%arg6 : memref<8xi32, #tpu.memory_space<vmem>>) semaphore(%arg13 : memref<!tpu.dma_semaphore, #tpu.memory_space<semaphore_mem>>)
    %dma_wait3A_22 = arith.constant 0 : i32
    %dma_wait3A_23 = arith.constant 0 : i32
    %dma_wait3A_24 = tpu.memref_slice %arg2[%dma_wait3A_22, %dma_wait3A_23] : memref<1000x128xf32, #tpu.memory_space<hbm>> -> memref<1000x128xf32, #tpu.memory_space<hbm>>
    tpu.wait_indirect_dma semaphore(%arg13 : memref<!tpu.dma_semaphore, #tpu.memory_space<semaphore_mem>>) src(%dma_wait3A_24 : memref<1000x128xf32, #tpu.memory_space<hbm>>) dst(%arg9 : memref<8x128xf32, #tpu.memory_space<vmem>>)
    %dma_wait3A_25 = arith.constant 0 : i32
    %dma_wait3A_26 = arith.constant 0 : i32
    %dma_wait3A_27 = tpu.memref_slice %arg10[%dma_wait3A_25, %dma_wait3A_26] : memref<1024x128xf32, #tpu.memory_space<vmem_shared>> -> memref<1024x128xf32, #tpu.memory_space<vmem_shared>>
    tpu.wait_indirect_dma semaphore(%arg14 : memref<!tpu.dma_semaphore, #tpu.memory_space<semaphore_mem>>) src(%arg8 : memref<8x128xf32, #tpu.memory_space<vmem>>) dst(%dma_wait3A_27 : memref<1024x128xf32, #tpu.memory_space<vmem_shared>>)
    %barrier3A = arith.constant 0 : index
    tpu.barrier barrier_id(%barrier3A)
    "tpu.region"() ({
      %run_scoped3A = tpu.sem_alloc : memref<!tpu.dma_semaphore, #tpu.memory_space<semaphore_mem>>
      %dma_start3A_42 = arith.constant 0 : i32
      %dma_start3A_43 = arith.constant 0 : i32
      %dma_start3A_44 = tpu.memref_slice %arg10[%dma_start3A_42, %dma_start3A_43] : memref<1024x128xf32, #tpu.memory_space<vmem_shared>> -> memref<1024x128xf32, #tpu.memory_space<vmem_shared>>
      tpu.enqueue_indirect_dma source(%arg9 : memref<8x128xf32, #tpu.memory_space<vmem>>) target(%dma_start3A_44 : memref<1024x128xf32, #tpu.memory_space<vmem_shared>>) offsets(%arg7 : memref<8xi32, #tpu.memory_space<vmem>>) semaphore(%run_scoped3A : memref<!tpu.dma_semaphore, #tpu.memory_space<semaphore_mem>>) {add = true}
      %dma_wait3A_45 = arith.constant 0 : i32
      %dma_wait3A_46 = arith.constant 0 : i32
      %dma_wait3A_47 = tpu.memref_slice %arg10[%dma_wait3A_45, %dma_wait3A_46] : memref<1024x128xf32, #tpu.memory_space<vmem_shared>> -> memref<1024x128xf32, #tpu.memory_space<vmem_shared>>
      tpu.wait_indirect_dma semaphore(%run_scoped3A : memref<!tpu.dma_semaphore, #tpu.memory_space<semaphore_mem>>) src(%arg9 : memref<8x128xf32, #tpu.memory_space<vmem>>) dst(%dma_wait3A_47 : memref<1024x128xf32, #tpu.memory_space<vmem_shared>>)
      tpu.yield
    }) : () -> ()
    %barrier3A_28 = arith.constant 0 : index
    tpu.barrier barrier_id(%barrier3A_28)
    %dma_start3A_29 = arith.constant 0 : i32
    %dma_start3A_30 = arith.constant 0 : i32
    %dma_start3A_31 = tpu.memref_slice %arg10[%dma_start3A_29, %dma_start3A_30] : memref<1024x128xf32, #tpu.memory_space<vmem_shared>> -> memref<1024x128xf32, #tpu.memory_space<vmem_shared>>
    tpu.enqueue_indirect_dma source(%dma_start3A_31 : memref<1024x128xf32, #tpu.memory_space<vmem_shared>>) target(%arg9 : memref<8x128xf32, #tpu.memory_space<vmem>>) offsets(%arg7 : memref<8xi32, #tpu.memory_space<vmem>>) semaphore(%arg13 : memref<!tpu.dma_semaphore, #tpu.memory_space<semaphore_mem>>)
    %dma_wait3A_32 = arith.constant 0 : i32
    %dma_wait3A_33 = arith.constant 0 : i32
    %dma_wait3A_34 = tpu.memref_slice %arg10[%dma_wait3A_32, %dma_wait3A_33] : memref<1024x128xf32, #tpu.memory_space<vmem_shared>> -> memref<1024x128xf32, #tpu.memory_space<vmem_shared>>
    tpu.wait_indirect_dma semaphore(%arg13 : memref<!tpu.dma_semaphore, #tpu.memory_space<semaphore_mem>>) src(%dma_wait3A_34 : memref<1024x128xf32, #tpu.memory_space<vmem_shared>>) dst(%arg9 : memref<8x128xf32, #tpu.memory_space<vmem>>)
    %eq3A = arith.constant 0 : i32
    %eq3A_35 = arith.cmpi eq, %arg0, %eq3A : i32
    %convert_element_type3A = arith.extui %eq3A_35 : i1 to i32
    %cond3A = arith.constant 0 : i32
    %cond3A_36 = arith.cmpi ne, %convert_element_type3A, %cond3A : i32
    scf.if %cond3A_36 {
      "tpu.region"() ({
        %run_scoped3A = tpu.sem_alloc : memref<!tpu.dma_semaphore, #tpu.memory_space<semaphore_mem>>
        %dma_start3A_42 = arith.constant 0 : i32
        %dma_start3A_43 = arith.constant 0 : i32
        %dma_start3A_44 = tpu.memref_slice %arg4[%dma_start3A_42, %dma_start3A_43] : memref<1024x128xf32, #tpu.memory_space<hbm>> -> memref<1024x128xf32, #tpu.memory_space<hbm>>
        tpu.enqueue_indirect_dma source(%arg9 : memref<8x128xf32, #tpu.memory_space<vmem>>) target(%dma_start3A_44 : memref<1024x128xf32, #tpu.memory_space<hbm>>) offsets(%arg7 : memref<8xi32, #tpu.memory_space<vmem>>) semaphore(%run_scoped3A : memref<!tpu.dma_semaphore, #tpu.memory_space<semaphore_mem>>)
        %dma_wait3A_45 = arith.constant 0 : i32
        %dma_wait3A_46 = arith.constant 0 : i32
        %dma_wait3A_47 = tpu.memref_slice %arg4[%dma_wait3A_45, %dma_wait3A_46] : memref<1024x128xf32, #tpu.memory_space<hbm>> -> memref<1024x128xf32, #tpu.memory_space<hbm>>
        tpu.wait_indirect_dma semaphore(%run_scoped3A : memref<!tpu.dma_semaphore, #tpu.memory_space<semaphore_mem>>) src(%arg9 : memref<8x128xf32, #tpu.memory_space<vmem>>) dst(%dma_wait3A_47 : memref<1024x128xf32, #tpu.memory_space<hbm>>)
        tpu.yield
      }) : () -> ()
    } else {
    }
    %eq3A_37 = arith.constant 1 : i32
    %eq3A_38 = arith.cmpi eq, %arg0, %eq3A_37 : i32
    %convert_element_type3A_39 = arith.extui %eq3A_38 : i1 to i32
    %cond3A_40 = arith.constant 0 : i32
    %cond3A_41 = arith.cmpi ne, %convert_element_type3A_39, %cond3A_40 : i32
    scf.if %cond3A_41 {
      "tpu.region"() ({
        %run_scoped3A = tpu.sem_alloc : memref<!tpu.dma_semaphore, #tpu.memory_space<semaphore_mem>>
        %dma_start3A_42 = arith.constant 0 : i32
        %dma_start3A_43 = arith.constant 0 : i32
        %dma_start3A_44 = tpu.memref_slice %arg5[%dma_start3A_42, %dma_start3A_43] : memref<1024x128xf32, #tpu.memory_space<hbm>> -> memref<1024x128xf32, #tpu.memory_space<hbm>>
        tpu.enqueue_indirect_dma source(%arg9 : memref<8x128xf32, #tpu.memory_space<vmem>>) target(%dma_start3A_44 : memref<1024x128xf32, #tpu.memory_space<hbm>>) offsets(%arg7 : memref<8xi32, #tpu.memory_space<vmem>>) semaphore(%run_scoped3A : memref<!tpu.dma_semaphore, #tpu.memory_space<semaphore_mem>>)
        %dma_wait3A_45 = arith.constant 0 : i32
        %dma_wait3A_46 = arith.constant 0 : i32
        %dma_wait3A_47 = tpu.memref_slice %arg5[%dma_wait3A_45, %dma_wait3A_46] : memref<1024x128xf32, #tpu.memory_space<hbm>> -> memref<1024x128xf32, #tpu.memory_space<hbm>>
        tpu.wait_indirect_dma semaphore(%run_scoped3A : memref<!tpu.dma_semaphore, #tpu.memory_space<semaphore_mem>>) src(%arg9 : memref<8x128xf32, #tpu.memory_space<vmem>>) dst(%dma_wait3A_47 : memref<1024x128xf32, #tpu.memory_space<hbm>>)
        tpu.yield
      }) : () -> ()
    } else {
    }
    return
  }
}

#map = affine_map<(d0, d1) -> (0, 0)>
#map1 = affine_map<(d0, d1) -> (0)>
module attributes {stable_mosaic.version = 14 : i64} {
  func.func @_sc_aggr(%arg0: i32, %arg1: i32, %arg2: memref<1000x128xf32, #tpu.memory_space<hbm>>, %arg3: memref<512xi32, #tpu.memory_space<hbm>>, %arg4: memref<1024x128xf32, #tpu.memory_space<hbm>>, %arg5: memref<1024x128xf32, #tpu.memory_space<hbm>>, %arg6: memref<8xi32, #tpu.memory_space<vmem>>, %arg7: memref<8xi32, #tpu.memory_space<vmem>>, %arg8: memref<8x128xf32, #tpu.memory_space<vmem>>, %arg9: memref<8x128xf32, #tpu.memory_space<vmem>>, %arg10: memref<1024x128xf32, #tpu.memory_space<vmem_shared>>, %arg11: memref<!tpu.dma_semaphore, #tpu.memory_space<semaphore_mem>>, %arg12: memref<!tpu.dma_semaphore, #tpu.memory_space<semaphore_mem>>, %arg13: memref<!tpu.dma_semaphore, #tpu.memory_space<semaphore_mem>>, %arg14: memref<!tpu.dma_semaphore, #tpu.memory_space<semaphore_mem>>) attributes {dimension_semantics = [#tpu.dimension_semantics<core_parallel>, #tpu.dimension_semantics<subcore_parallel>], iteration_bounds = array<i64: 2, 16>, scalar_prefetch = 0 : i64, scratch_operands = 9 : i64, tpu.core_type = #tpu.core_type<sc_vector_subcore>, window_params = [{transform_indices = #map}, {transform_indices = #map1}, {transform_indices = #map}, {transform_indices = #map}]} {
    %mul3A = arith.constant 128 : i32
    %mul3A_0 = arith.muli %arg0, %mul3A : i32
    %mul3A_1 = arith.constant 8 : i32
    %mul3A_2 = arith.muli %arg1, %mul3A_1 : i32
    %add3A = arith.addi %mul3A_0, %mul3A_2 : i32
    %add3A_3 = arith.constant 256 : i32
    %add3A_4 = arith.addi %add3A_3, %add3A : i32
    %dma_start3A = tpu.memref_slice %arg3[%add3A_4] : memref<512xi32, #tpu.memory_space<hbm>> -> memref<8xi32, #tpu.memory_space<hbm>>
    %dma_start3A_5 = tpu.memref_slice %arg3[%add3A_4] : memref<512xi32, #tpu.memory_space<hbm>> -> memref<8xi32, #tpu.memory_space<hbm>>
    tpu.enqueue_dma source(%dma_start3A_5 : memref<8xi32, #tpu.memory_space<hbm>>) target(%arg7 : memref<8xi32, #tpu.memory_space<vmem>>) target_semaphore(%arg12 : memref<!tpu.dma_semaphore, #tpu.memory_space<semaphore_mem>>)
    %dma_start3A_6 = tpu.memref_slice %arg3[%add3A] : memref<512xi32, #tpu.memory_space<hbm>> -> memref<8xi32, #tpu.memory_space<hbm>>
    %dma_start3A_7 = tpu.memref_slice %arg3[%add3A] : memref<512xi32, #tpu.memory_space<hbm>> -> memref<8xi32, #tpu.memory_space<hbm>>
    tpu.enqueue_dma source(%dma_start3A_7 : memref<8xi32, #tpu.memory_space<hbm>>) target(%arg6 : memref<8xi32, #tpu.memory_space<vmem>>) target_semaphore(%arg11 : memref<!tpu.dma_semaphore, #tpu.memory_space<semaphore_mem>>)
    %scan3A = arith.constant 0 : i32
    %scan3A_8 = arith.constant 0 : i32
    %scan3A_9 = arith.constant 8 : i32
    %scan3A_10 = arith.addi %scan3A_8, %scan3A_9 : i32
    %scan3A_11 = arith.constant 1 : i32
    scf.for %scan3A_42 = %scan3A_8 to %scan3A_10 step %scan3A_11  : i32 {
      %broadcast_in_dim3A = arith.constant 0.000000e+00 : f32
      %broadcast_in_dim3A_43 = vector.broadcast %broadcast_in_dim3A : f32 to vector<16xf32>
      %swap3A = arith.index_cast %scan3A_42 : i32 to index
      %swap3A_44 = arith.constant 0 : index
      %swap3A_45 = tpu.vector_load %arg8[%swap3A, %swap3A_44] {strides = array<i32>} : memref<8x128xf32, #tpu.memory_space<vmem>>, vector<1x16xf32>,
      %swap3A_46 = vector.shape_cast %swap3A_45 : vector<1x16xf32> to vector<16xf32>
      %swap3A_47 = vector.shape_cast %broadcast_in_dim3A_43 : vector<16xf32> to vector<1x16xf32>
      tpu.vector_store %arg8[%swap3A, %swap3A_44], %swap3A_47 {strides = array<i32>} : memref<8x128xf32, #tpu.memory_space<vmem>>, vector<1x16xf32>,
      %broadcast_in_dim3A_48 = arith.constant 0.000000e+00 : f32
      %broadcast_in_dim3A_49 = vector.broadcast %broadcast_in_dim3A_48 : f32 to vector<16xf32>
      %swap3A_50 = arith.index_cast %scan3A_42 : i32 to index
      %swap3A_51 = arith.constant 16 : index
      %swap3A_52 = tpu.vector_load %arg8[%swap3A_50, %swap3A_51] {strides = array<i32>} : memref<8x128xf32, #tpu.memory_space<vmem>>, vector<1x16xf32>,
      %swap3A_53 = vector.shape_cast %swap3A_52 : vector<1x16xf32> to vector<16xf32>
      %swap3A_54 = vector.shape_cast %broadcast_in_dim3A_49 : vector<16xf32> to vector<1x16xf32>
      tpu.vector_store %arg8[%swap3A_50, %swap3A_51], %swap3A_54 {strides = array<i32>} : memref<8x128xf32, #tpu.memory_space<vmem>>, vector<1x16xf32>,
      %broadcast_in_dim3A_55 = arith.constant 0.000000e+00 : f32
      %broadcast_in_dim3A_56 = vector.broadcast %broadcast_in_dim3A_55 : f32 to vector<16xf32>
      %swap3A_57 = arith.index_cast %scan3A_42 : i32 to index
      %swap3A_58 = arith.constant 32 : index
      %swap3A_59 = tpu.vector_load %arg8[%swap3A_57, %swap3A_58] {strides = array<i32>} : memref<8x128xf32, #tpu.memory_space<vmem>>, vector<1x16xf32>,
      %swap3A_60 = vector.shape_cast %swap3A_59 : vector<1x16xf32> to vector<16xf32>
      %swap3A_61 = vector.shape_cast %broadcast_in_dim3A_56 : vector<16xf32> to vector<1x16xf32>
      tpu.vector_store %arg8[%swap3A_57, %swap3A_58], %swap3A_61 {strides = array<i32>} : memref<8x128xf32, #tpu.memory_space<vmem>>, vector<1x16xf32>,
      %broadcast_in_dim3A_62 = arith.constant 0.000000e+00 : f32
      %broadcast_in_dim3A_63 = vector.broadcast %broadcast_in_dim3A_62 : f32 to vector<16xf32>
      %swap3A_64 = arith.index_cast %scan3A_42 : i32 to index
      %swap3A_65 = arith.constant 48 : index
      %swap3A_66 = tpu.vector_load %arg8[%swap3A_64, %swap3A_65] {strides = array<i32>} : memref<8x128xf32, #tpu.memory_space<vmem>>, vector<1x16xf32>,
      %swap3A_67 = vector.shape_cast %swap3A_66 : vector<1x16xf32> to vector<16xf32>
      %swap3A_68 = vector.shape_cast %broadcast_in_dim3A_63 : vector<16xf32> to vector<1x16xf32>
      tpu.vector_store %arg8[%swap3A_64, %swap3A_65], %swap3A_68 {strides = array<i32>} : memref<8x128xf32, #tpu.memory_space<vmem>>, vector<1x16xf32>,
      %broadcast_in_dim3A_69 = arith.constant 0.000000e+00 : f32
      %broadcast_in_dim3A_70 = vector.broadcast %broadcast_in_dim3A_69 : f32 to vector<16xf32>
      %swap3A_71 = arith.index_cast %scan3A_42 : i32 to index
      %swap3A_72 = arith.constant 64 : index
      %swap3A_73 = tpu.vector_load %arg8[%swap3A_71, %swap3A_72] {strides = array<i32>} : memref<8x128xf32, #tpu.memory_space<vmem>>, vector<1x16xf32>,
      %swap3A_74 = vector.shape_cast %swap3A_73 : vector<1x16xf32> to vector<16xf32>
      %swap3A_75 = vector.shape_cast %broadcast_in_dim3A_70 : vector<16xf32> to vector<1x16xf32>
      tpu.vector_store %arg8[%swap3A_71, %swap3A_72], %swap3A_75 {strides = array<i32>} : memref<8x128xf32, #tpu.memory_space<vmem>>, vector<1x16xf32>,
      %broadcast_in_dim3A_76 = arith.constant 0.000000e+00 : f32
      %broadcast_in_dim3A_77 = vector.broadcast %broadcast_in_dim3A_76 : f32 to vector<16xf32>
      %swap3A_78 = arith.index_cast %scan3A_42 : i32 to index
      %swap3A_79 = arith.constant 80 : index
      %swap3A_80 = tpu.vector_load %arg8[%swap3A_78, %swap3A_79] {strides = array<i32>} : memref<8x128xf32, #tpu.memory_space<vmem>>, vector<1x16xf32>,
      %swap3A_81 = vector.shape_cast %swap3A_80 : vector<1x16xf32> to vector<16xf32>
      %swap3A_82 = vector.shape_cast %broadcast_in_dim3A_77 : vector<16xf32> to vector<1x16xf32>
      tpu.vector_store %arg8[%swap3A_78, %swap3A_79], %swap3A_82 {strides = array<i32>} : memref<8x128xf32, #tpu.memory_space<vmem>>, vector<1x16xf32>,
      %broadcast_in_dim3A_83 = arith.constant 0.000000e+00 : f32
      %broadcast_in_dim3A_84 = vector.broadcast %broadcast_in_dim3A_83 : f32 to vector<16xf32>
      %swap3A_85 = arith.index_cast %scan3A_42 : i32 to index
      %swap3A_86 = arith.constant 96 : index
      %swap3A_87 = tpu.vector_load %arg8[%swap3A_85, %swap3A_86] {strides = array<i32>} : memref<8x128xf32, #tpu.memory_space<vmem>>, vector<1x16xf32>,
      %swap3A_88 = vector.shape_cast %swap3A_87 : vector<1x16xf32> to vector<16xf32>
      %swap3A_89 = vector.shape_cast %broadcast_in_dim3A_84 : vector<16xf32> to vector<1x16xf32>
      tpu.vector_store %arg8[%swap3A_85, %swap3A_86], %swap3A_89 {strides = array<i32>} : memref<8x128xf32, #tpu.memory_space<vmem>>, vector<1x16xf32>,
      %broadcast_in_dim3A_90 = arith.constant 0.000000e+00 : f32
      %broadcast_in_dim3A_91 = vector.broadcast %broadcast_in_dim3A_90 : f32 to vector<16xf32>
      %swap3A_92 = arith.index_cast %scan3A_42 : i32 to index
      %swap3A_93 = arith.constant 112 : index
      %swap3A_94 = tpu.vector_load %arg8[%swap3A_92, %swap3A_93] {strides = array<i32>} : memref<8x128xf32, #tpu.memory_space<vmem>>, vector<1x16xf32>,
      %swap3A_95 = vector.shape_cast %swap3A_94 : vector<1x16xf32> to vector<16xf32>
      %swap3A_96 = vector.shape_cast %broadcast_in_dim3A_91 : vector<16xf32> to vector<1x16xf32>
      tpu.vector_store %arg8[%swap3A_92, %swap3A_93], %swap3A_96 {strides = array<i32>} : memref<8x128xf32, #tpu.memory_space<vmem>>, vector<1x16xf32>,
    }
    %scan3A_12 = arith.constant 8 : i32
    %dma_wait3A = tpu.memref_slice %arg3[%add3A_4] : memref<512xi32, #tpu.memory_space<hbm>> -> memref<8xi32, #tpu.memory_space<hbm>>
    %dma_wait3A_13 = tpu.memref_slice %arg3[%add3A_4] : memref<512xi32, #tpu.memory_space<hbm>> -> memref<8xi32, #tpu.memory_space<hbm>>
    tpu.wait_dma2 semaphore(%arg12 : memref<!tpu.dma_semaphore, #tpu.memory_space<semaphore_mem>>) src(%dma_wait3A_13 : memref<8xi32, #tpu.memory_space<hbm>>) dst(%arg7 : memref<8xi32, #tpu.memory_space<vmem>>)
    %dma_start3A_14 = arith.constant 0 : i32
    %dma_start3A_15 = arith.constant 0 : i32
    %dma_start3A_16 = tpu.memref_slice %arg10[%dma_start3A_14, %dma_start3A_15] : memref<1024x128xf32, #tpu.memory_space<vmem_shared>> -> memref<1024x128xf32, #tpu.memory_space<vmem_shared>>
    tpu.enqueue_indirect_dma source(%arg8 : memref<8x128xf32, #tpu.memory_space<vmem>>) target(%dma_start3A_16 : memref<1024x128xf32, #tpu.memory_space<vmem_shared>>) offsets(%arg7 : memref<8xi32, #tpu.memory_space<vmem>>) semaphore(%arg14 : memref<!tpu.dma_semaphore, #tpu.memory_space<semaphore_mem>>)
    %dma_wait3A_17 = tpu.memref_slice %arg3[%add3A] : memref<512xi32, #tpu.memory_space<hbm>> -> memref<8xi32, #tpu.memory_space<hbm>>
    %dma_wait3A_18 = tpu.memref_slice %arg3[%add3A] : memref<512xi32, #tpu.memory_space<hbm>> -> memref<8xi32, #tpu.memory_space<hbm>>
    tpu.wait_dma2 semaphore(%arg11 : memref<!tpu.dma_semaphore, #tpu.memory_space<semaphore_mem>>) src(%dma_wait3A_18 : memref<8xi32, #tpu.memory_space<hbm>>) dst(%arg6 : memref<8xi32, #tpu.memory_space<vmem>>)
    %dma_start3A_19 = arith.constant 0 : i32
    %dma_start3A_20 = arith.constant 0 : i32
    %dma_start3A_21 = tpu.memref_slice %arg2[%dma_start3A_19, %dma_start3A_20] : memref<1000x128xf32, #tpu.memory_space<hbm>> -> memref<1000x128xf32, #tpu.memory_space<hbm>>
    tpu.enqueue_indirect_dma source(%dma_start3A_21 : memref<1000x128xf32, #tpu.memory_space<hbm>>) target(%arg9 : memref<8x128xf32, #tpu.memory_space<vmem>>) offsets(%arg6 : memref<8xi32, #tpu.memory_space<vmem>>) semaphore(%arg13 : memref<!tpu.dma_semaphore, #tpu.memory_space<semaphore_mem>>)
    %dma_wait3A_22 = arith.constant 0 : i32
    %dma_wait3A_23 = arith.constant 0 : i32
    %dma_wait3A_24 = tpu.memref_slice %arg2[%dma_wait3A_22, %dma_wait3A_23] : memref<1000x128xf32, #tpu.memory_space<hbm>> -> memref<1000x128xf32, #tpu.memory_space<hbm>>
    tpu.wait_indirect_dma semaphore(%arg13 : memref<!tpu.dma_semaphore, #tpu.memory_space<semaphore_mem>>) src(%dma_wait3A_24 : memref<1000x128xf32, #tpu.memory_space<hbm>>) dst(%arg9 : memref<8x128xf32, #tpu.memory_space<vmem>>)
    %dma_wait3A_25 = arith.constant 0 : i32
    %dma_wait3A_26 = arith.constant 0 : i32
    %dma_wait3A_27 = tpu.memref_slice %arg10[%dma_wait3A_25, %dma_wait3A_26] : memref<1024x128xf32, #tpu.memory_space<vmem_shared>> -> memref<1024x128xf32, #tpu.memory_space<vmem_shared>>
    tpu.wait_indirect_dma semaphore(%arg14 : memref<!tpu.dma_semaphore, #tpu.memory_space<semaphore_mem>>) src(%arg8 : memref<8x128xf32, #tpu.memory_space<vmem>>) dst(%dma_wait3A_27 : memref<1024x128xf32, #tpu.memory_space<vmem_shared>>)
    %barrier3A = arith.constant 0 : index
    tpu.barrier barrier_id(%barrier3A)
    "tpu.region"() ({
      %run_scoped3A = tpu.sem_alloc : memref<!tpu.dma_semaphore, #tpu.memory_space<semaphore_mem>>
      %dma_start3A_42 = arith.constant 0 : i32
      %dma_start3A_43 = arith.constant 0 : i32
      %dma_start3A_44 = tpu.memref_slice %arg10[%dma_start3A_42, %dma_start3A_43] : memref<1024x128xf32, #tpu.memory_space<vmem_shared>> -> memref<1024x128xf32, #tpu.memory_space<vmem_shared>>
      tpu.enqueue_indirect_dma source(%arg9 : memref<8x128xf32, #tpu.memory_space<vmem>>) target(%dma_start3A_44 : memref<1024x128xf32, #tpu.memory_space<vmem_shared>>) offsets(%arg7 : memref<8xi32, #tpu.memory_space<vmem>>) semaphore(%run_scoped3A : memref<!tpu.dma_semaphore, #tpu.memory_space<semaphore_mem>>) {add = true}
      %dma_wait3A_45 = arith.constant 0 : i32
      %dma_wait3A_46 = arith.constant 0 : i32
      %dma_wait3A_47 = tpu.memref_slice %arg10[%dma_wait3A_45, %dma_wait3A_46] : memref<1024x128xf32, #tpu.memory_space<vmem_shared>> -> memref<1024x128xf32, #tpu.memory_space<vmem_shared>>
      tpu.wait_indirect_dma semaphore(%run_scoped3A : memref<!tpu.dma_semaphore, #tpu.memory_space<semaphore_mem>>) src(%arg9 : memref<8x128xf32, #tpu.memory_space<vmem>>) dst(%dma_wait3A_47 : memref<1024x128xf32, #tpu.memory_space<vmem_shared>>)
      tpu.yield
    }) : () -> ()
    %barrier3A_28 = arith.constant 0 : index
    tpu.barrier barrier_id(%barrier3A_28)
    %dma_start3A_29 = arith.constant 0 : i32
    %dma_start3A_30 = arith.constant 0 : i32
    %dma_start3A_31 = tpu.memref_slice %arg10[%dma_start3A_29, %dma_start3A_30] : memref<1024x128xf32, #tpu.memory_space<vmem_shared>> -> memref<1024x128xf32, #tpu.memory_space<vmem_shared>>
    tpu.enqueue_indirect_dma source(%dma_start3A_31 : memref<1024x128xf32, #tpu.memory_space<vmem_shared>>) target(%arg9 : memref<8x128xf32, #tpu.memory_space<vmem>>) offsets(%arg7 : memref<8xi32, #tpu.memory_space<vmem>>) semaphore(%arg13 : memref<!tpu.dma_semaphore, #tpu.memory_space<semaphore_mem>>)
    %dma_wait3A_32 = arith.constant 0 : i32
    %dma_wait3A_33 = arith.constant 0 : i32
    %dma_wait3A_34 = tpu.memref_slice %arg10[%dma_wait3A_32, %dma_wait3A_33] : memref<1024x128xf32, #tpu.memory_space<vmem_shared>> -> memref<1024x128xf32, #tpu.memory_space<vmem_shared>>
    tpu.wait_indirect_dma semaphore(%arg13 : memref<!tpu.dma_semaphore, #tpu.memory_space<semaphore_mem>>) src(%dma_wait3A_34 : memref<1024x128xf32, #tpu.memory_space<vmem_shared>>) dst(%arg9 : memref<8x128xf32, #tpu.memory_space<vmem>>)
    %eq3A = arith.constant 0 : i32
    %eq3A_35 = arith.cmpi eq, %arg0, %eq3A : i32
    %convert_element_type3A = arith.extui %eq3A_35 : i1 to i32
    %cond3A = arith.constant 0 : i32
    %cond3A_36 = arith.cmpi ne, %convert_element_type3A, %cond3A : i32
    scf.if %cond3A_36 {
      "tpu.region"() ({
        %run_scoped3A = tpu.sem_alloc : memref<!tpu.dma_semaphore, #tpu.memory_space<semaphore_mem>>
        %dma_start3A_42 = arith.constant 0 : i32
        %dma_start3A_43 = arith.constant 0 : i32
        %dma_start3A_44 = tpu.memref_slice %arg4[%dma_start3A_42, %dma_start3A_43] : memref<1024x128xf32, #tpu.memory_space<hbm>> -> memref<1024x128xf32, #tpu.memory_space<hbm>>
        tpu.enqueue_indirect_dma source(%arg9 : memref<8x128xf32, #tpu.memory_space<vmem>>) target(%dma_start3A_44 : memref<1024x128xf32, #tpu.memory_space<hbm>>) offsets(%arg7 : memref<8xi32, #tpu.memory_space<vmem>>) semaphore(%run_scoped3A : memref<!tpu.dma_semaphore, #tpu.memory_space<semaphore_mem>>)
        %dma_wait3A_45 = arith.constant 0 : i32
        %dma_wait3A_46 = arith.constant 0 : i32
        %dma_wait3A_47 = tpu.memref_slice %arg4[%dma_wait3A_45, %dma_wait3A_46] : memref<1024x128xf32, #tpu.memory_space<hbm>> -> memref<1024x128xf32, #tpu.memory_space<hbm>>
        tpu.wait_indirect_dma semaphore(%run_scoped3A : memref<!tpu.dma_semaphore, #tpu.memory_space<semaphore_mem>>) src(%arg9 : memref<8x128xf32, #tpu.memory_space<vmem>>) dst(%dma_wait3A_47 : memref<1024x128xf32, #tpu.memory_space<hbm>>)
        tpu.yield
      }) : () -> ()
    } else {
    }
    %eq3A_37 = arith.constant 1 : i32
    %eq3A_38 = arith.cmpi eq, %arg0, %eq3A_37 : i32
    %convert_element_type3A_39 = arith.extui %eq3A_38 : i1 to i32
    %cond3A_40 = arith.constant 0 : i32
    %cond3A_41 = arith.cmpi ne, %convert_element_type3A_39, %cond3A_40 : i32
    scf.if %cond3A_41 {
      "tpu.region"() ({
        %run_scoped3A = tpu.sem_alloc : memref<!tpu.dma_semaphore, #tpu.memory_space<semaphore_mem>>
        %dma_start3A_42 = arith.constant 0 : i32
        %dma_start3A_43 = arith.constant 0 : i32
        %dma_start3A_44 = tpu.memref_slice %arg5[%dma_start3A_42, %dma_start3A_43] : memref<1024x128xf32, #tpu.memory_space<hbm>> -> memref<1024x128xf32, #tpu.memory_space<hbm>>
        tpu.enqueue_indirect_dma source(%arg9 : memref<8x128xf32, #tpu.memory_space<vmem>>) target(%dma_start3A_44 : memref<1024x128xf32, #tpu.memory_space<hbm>>) offsets(%arg7 : memref<8xi32, #tpu.memory_space<vmem>>) semaphore(%run_scoped3A : memref<!tpu.dma_semaphore, #tpu.memory_space<semaphore_mem>>)
        %dma_wait3A_45 = arith.constant 0 : i32
        %dma_wait3A_46 = arith.constant 0 : i32
        %dma_wait3A_47 = tpu.memref_slice %arg5[%dma_wait3A_45, %dma_wait3A_46] : memref<1024x128xf32, #tpu.memory_space<hbm>> -> memref<1024x128xf32, #tpu.memory_space<hbm>>
        tpu.wait_indirect_dma semaphore(%run_scoped3A : memref<!tpu.dma_semaphore, #tpu.memory_space<semaphore_mem>>) src(%arg9 : memref<8x128xf32, #tpu.memory_space<vmem>>) dst(%dma_wait3A_47 : memref<1024x128xf32, #tpu.memory_space<hbm>>)
        tpu.yield
      }) : () -> ()
    } else {
    }
    return
  }
}

module attributes {stable_mosaic.version = 14 : i64} {
  func.func @_tc2_body(%arg0: memref<1024x128xf32, #tpu.memory_space<vmem>>, %arg1: memref<1024x128xf32, #tpu.memory_space<vmem>>, %arg2: memref<1000x128xf32, #tpu.memory_space<vmem>>, %arg3: memref<1000x2xf32, #tpu.memory_space<vmem>>, %arg4: memref<32x64xf32, #tpu.memory_space<vmem>>, %arg5: memref<32x32xf32, #tpu.memory_space<vmem>>, %arg6: memref<1x32xf32, #tpu.memory_space<vmem>>, %arg7: memref<32x64xf32, #tpu.memory_space<vmem>>, %arg8: memref<32x32xf32, #tpu.memory_space<vmem>>, %arg9: memref<1x32xf32, #tpu.memory_space<vmem>>, %arg10: memref<1000x64xf32, #tpu.memory_space<vmem>>) attributes {dimension_semantics = [], scalar_prefetch = 0 : i64, scratch_operands = 0 : i64, tpu.core_type = #tpu.core_type<tc>} {
    %get3A = arith.constant 0 : index
    %get3A_0 = arith.constant 0 : index
    %get3A_1 = vector.load %arg2[%get3A, %get3A_0] : memref<1000x128xf32, #tpu.memory_space<vmem>>, vector<1000x64xf32>
    %get3A_2 = arith.constant 0 : index
    %get3A_3 = arith.constant 0 : index
    %get3A_4 = vector.load %arg3[%get3A_2, %get3A_3] : memref<1000x2xf32, #tpu.memory_space<vmem>>, vector<1000x1xf32>
    %get3A_5 = arith.constant 0 : index
    %get3A_6 = arith.constant 1 : index
    %get3A_7 = vector.load %arg3[%get3A_5, %get3A_6] : memref<1000x2xf32, #tpu.memory_space<vmem>>, vector<1000x1xf32>
    %gt3A = arith.constant 0.000000e+00 : f32
    %gt3A_8 = vector.broadcast %gt3A : f32 to vector<1000x1xf32>
    %gt3A_9 = arith.cmpf ogt, %get3A_4, %gt3A_8 : vector<1000x1xf32>
    %get3A_10 = arith.constant 0 : index
    %get3A_11 = arith.constant 0 : index
    %get3A_12 = vector.load %arg0[%get3A_10, %get3A_11] : memref<1024x128xf32, #tpu.memory_space<vmem>>, vector<1000x64xf32>
    %mul3A = vector.broadcast %get3A_4 : vector<1000x1xf32> to vector<1000x64xf32>
    %mul3A_13 = arith.mulf %get3A_12, %mul3A : vector<1000x64xf32>
    %jit3A = arith.constant 0.000000e+00 : f32
    %broadcast_in_dim3A = vector.shape_cast %gt3A_9 : vector<1000x1xi1> to vector<1000x1xi1>
    %broadcast_in_dim3A_14 = vector.broadcast %broadcast_in_dim3A : vector<1000x1xi1> to vector<1000x64xi1>
    %broadcast_in_dim3A_15 = vector.broadcast %jit3A : f32 to vector<1000x64xf32>
    %select_n3A = arith.select %broadcast_in_dim3A_14, %mul3A_13, %broadcast_in_dim3A_15 : vector<1000x64xi1>, vector<1000x64xf32>
    %gt3A_16 = arith.constant 0.000000e+00 : f32
    %gt3A_17 = vector.broadcast %gt3A_16 : f32 to vector<1000x1xf32>
    %gt3A_18 = arith.cmpf ogt, %get3A_7, %gt3A_17 : vector<1000x1xf32>
    %get3A_19 = arith.constant 0 : index
    %get3A_20 = arith.constant 0 : index
    %get3A_21 = vector.load %arg1[%get3A_19, %get3A_20] : memref<1024x128xf32, #tpu.memory_space<vmem>>, vector<1000x64xf32>
    %mul3A_22 = vector.broadcast %get3A_7 : vector<1000x1xf32> to vector<1000x64xf32>
    %mul3A_23 = arith.mulf %get3A_21, %mul3A_22 : vector<1000x64xf32>
    %jit3A_24 = arith.constant 0.000000e+00 : f32
    %broadcast_in_dim3A_25 = vector.shape_cast %gt3A_18 : vector<1000x1xi1> to vector<1000x1xi1>
    %broadcast_in_dim3A_26 = vector.broadcast %broadcast_in_dim3A_25 : vector<1000x1xi1> to vector<1000x64xi1>
    %broadcast_in_dim3A_27 = vector.broadcast %jit3A_24 : f32 to vector<1000x64xf32>
    %select_n3A_28 = arith.select %broadcast_in_dim3A_26, %mul3A_23, %broadcast_in_dim3A_27 : vector<1000x64xi1>, vector<1000x64xf32>
    %concatenate3A = tpu.concatenate %select_n3A, %select_n3A_28, %get3A_1 in 1 : vector<1000x64xf32>, vector<1000x64xf32>, vector<1000x64xf32> -> vector<1000x192xf32>
    %broadcast_in_dim3A_29 = arith.constant 0.000000e+00 : f32
    %broadcast_in_dim3A_30 = vector.broadcast %broadcast_in_dim3A_29 : f32 to vector<32x32xf32>
    %get3A_31 = arith.constant 0 : index
    %get3A_32 = arith.constant 0 : index
    %get3A_33 = vector.load %arg4[%get3A_31, %get3A_32] : memref<32x64xf32, #tpu.memory_space<vmem>>, vector<32x64xf32>
    %get3A_34 = arith.constant 0 : index
    %get3A_35 = arith.constant 0 : index
    %get3A_36 = vector.load %arg7[%get3A_34, %get3A_35] : memref<32x64xf32, #tpu.memory_space<vmem>>, vector<32x64xf32>
    %slice3A = vector.extract_strided_slice %get3A_33 {offsets = [0, 0], sizes = [32, 32], strides = [1, 1]} : vector<32x64xf32> to vector<32x32xf32>
    %concatenate3A_37 = tpu.concatenate %slice3A, %broadcast_in_dim3A_30 in 0 : vector<32x32xf32>, vector<32x32xf32> -> vector<64x32xf32>
    %slice3A_38 = vector.extract_strided_slice %get3A_36 {offsets = [0, 0], sizes = [32, 32], strides = [1, 1]} : vector<32x64xf32> to vector<32x32xf32>
    %concatenate3A_39 = tpu.concatenate %broadcast_in_dim3A_30, %slice3A_38 in 0 : vector<32x32xf32>, vector<32x32xf32> -> vector<64x32xf32>
    %slice3A_40 = vector.extract_strided_slice %get3A_36 {offsets = [0, 32], sizes = [32, 32], strides = [1, 1]} : vector<32x64xf32> to vector<32x32xf32>
    %concatenate3A_41 = tpu.concatenate %broadcast_in_dim3A_30, %slice3A_40 in 0 : vector<32x32xf32>, vector<32x32xf32> -> vector<64x32xf32>
    %slice3A_42 = vector.extract_strided_slice %get3A_33 {offsets = [0, 32], sizes = [32, 32], strides = [1, 1]} : vector<32x64xf32> to vector<32x32xf32>
    %concatenate3A_43 = tpu.concatenate %slice3A_42, %broadcast_in_dim3A_30 in 0 : vector<32x32xf32>, vector<32x32xf32> -> vector<64x32xf32>
    %get3A_44 = arith.constant 0 : index
    %get3A_45 = arith.constant 0 : index
    %get3A_46 = vector.load %arg5[%get3A_44, %get3A_45] : memref<32x32xf32, #tpu.memory_space<vmem>>, vector<32x32xf32>
    %concatenate3A_47 = tpu.concatenate %get3A_46, %broadcast_in_dim3A_30 in 0 : vector<32x32xf32>, vector<32x32xf32> -> vector<64x32xf32>
    %get3A_48 = arith.constant 0 : index
    %get3A_49 = arith.constant 0 : index
    %get3A_50 = vector.load %arg8[%get3A_48, %get3A_49] : memref<32x32xf32, #tpu.memory_space<vmem>>, vector<32x32xf32>
    %concatenate3A_51 = tpu.concatenate %broadcast_in_dim3A_30, %get3A_50 in 0 : vector<32x32xf32>, vector<32x32xf32> -> vector<64x32xf32>
    %concatenate3A_52 = tpu.concatenate %concatenate3A_37, %concatenate3A_39, %concatenate3A_41, %concatenate3A_43, %concatenate3A_47, %concatenate3A_51 in 1 : vector<64x32xf32>, vector<64x32xf32>, vector<64x32xf32>, vector<64x32xf32>, vector<64x32xf32>, vector<64x32xf32> -> vector<64x192xf32>
    %get3A_53 = arith.constant 0 : index
    %get3A_54 = arith.constant 0 : index
    %get3A_55 = vector.load %arg6[%get3A_53, %get3A_54] : memref<1x32xf32, #tpu.memory_space<vmem>>, vector<1x32xf32>
    %get3A_56 = arith.constant 0 : index
    %get3A_57 = arith.constant 0 : index
    %get3A_58 = vector.load %arg9[%get3A_56, %get3A_57] : memref<1x32xf32, #tpu.memory_space<vmem>>, vector<1x32xf32>
    %concatenate3A_59 = tpu.concatenate %get3A_55, %get3A_58 in 1 : vector<1x32xf32>, vector<1x32xf32> -> vector<1x64xf32>
    %dot_general3A = arith.constant dense<0.000000e+00> : vector<1000x64xf32>
    %dot_general3A_60 = tpu.matmul %concatenate3A, %concatenate3A_52, %dot_general3A {dimension_numbers = #tpu.dot_dimension_numbers<[1], [1], [0], [0], [0, 0, 1, 0], [], []>, transpose_lhs_hint = false} : vector<1000x192xf32>, vector<64x192xf32>, vector<1000x64xf32> -> vector<1000x64xf32>
    %add3A = vector.broadcast %concatenate3A_59 : vector<1x64xf32> to vector<1000x64xf32>
    %add3A_61 = arith.addf %dot_general3A_60, %add3A : vector<1000x64xf32>
    %max3A = arith.constant 0.000000e+00 : f32
    %max3A_62 = vector.broadcast %max3A : f32 to vector<1000x64xf32>
    %max3A_63 = arith.maximumf %add3A_61, %max3A_62 : vector<1000x64xf32>
    %swap3A = arith.constant 0 : index
    %swap3A_64 = arith.constant 0 : index
    %swap3A_65 = vector.load %arg10[%swap3A, %swap3A_64] : memref<1000x64xf32, #tpu.memory_space<vmem>>, vector<1000x64xf32>
    tpu.vector_store %arg10[%swap3A, %swap3A_64], %max3A_63 {strides = array<i32>} : memref<1000x64xf32, #tpu.memory_space<vmem>>, vector<1000x64xf32>,
    return
  }
}

module attributes {stable_mosaic.version = 14 : i64} {
  func.func @_tc1_body(%arg0: memref<1024x128xf32, #tpu.memory_space<vmem>>, %arg1: memref<1024x128xf32, #tpu.memory_space<vmem>>, %arg2: memref<1000x128xf32, #tpu.memory_space<vmem>>, %arg3: memref<4x128xi32, #tpu.memory_space<vmem>>, %arg4: memref<32x32xf32, #tpu.memory_space<vmem>>, %arg5: memref<32x32xf32, #tpu.memory_space<vmem>>, %arg6: memref<1x32xf32, #tpu.memory_space<vmem>>, %arg7: memref<32x32xf32, #tpu.memory_space<vmem>>, %arg8: memref<32x32xf32, #tpu.memory_space<vmem>>, %arg9: memref<1x32xf32, #tpu.memory_space<vmem>>, %arg10: memref<1000x128xf32, #tpu.memory_space<vmem>>, %arg11: memref<1000x2xf32, #tpu.memory_space<vmem>>) attributes {dimension_semantics = [], scalar_prefetch = 0 : i64, scratch_operands = 0 : i64, tpu.core_type = #tpu.core_type<tc>} {
    %get3A = arith.constant 0 : index
    %get3A_0 = arith.constant 0 : index
    %get3A_1 = vector.load %arg2[%get3A, %get3A_0] : memref<1000x128xf32, #tpu.memory_space<vmem>>, vector<1000x32xf32>
    %get3A_2 = arith.constant 0 : index
    %get3A_3 = arith.constant 0 : index
    %get3A_4 = vector.load %arg0[%get3A_2, %get3A_3] : memref<1024x128xf32, #tpu.memory_space<vmem>>, vector<1000x32xf32>
    %get3A_5 = arith.constant 0 : index
    %get3A_6 = arith.constant 0 : index
    %get3A_7 = vector.load %arg1[%get3A_5, %get3A_6] : memref<1024x128xf32, #tpu.memory_space<vmem>>, vector<1000x32xf32>
    %iota3A = tpu.iota {dimensions = array<i32: 0>} : vector<1000x128xi32>
    %get3A_8 = arith.constant 2 : index
    %get3A_9 = arith.constant 0 : index
    %get3A_10 = vector.load %arg3[%get3A_8, %get3A_9] : memref<4x128xi32, #tpu.memory_space<vmem>>, vector<1x128xi32>
    %eq3A = vector.broadcast %get3A_10 : vector<1x128xi32> to vector<1000x128xi32>
    %eq3A_11 = arith.cmpi eq, %iota3A, %eq3A : vector<1000x128xi32>
    %convert_element_type3A = arith.extui %eq3A_11 : vector<1000x128xi1> to vector<1000x128xi32>
    %convert_element_type3A_12 = arith.sitofp %convert_element_type3A : vector<1000x128xi32> to vector<1000x128xf32>
    %reduce_sum3A = arith.constant dense<0.000000e+00> : vector<1000xf32>
    %reduce_sum3A_13 = vector.multi_reduction <add>, %convert_element_type3A_12, %reduce_sum3A [1] : vector<1000x128xf32> to vector<1000xf32>
    %broadcast_in_dim3A = vector.shape_cast %reduce_sum3A_13 : vector<1000xf32> to vector<1000x1xf32>
    %get3A_14 = arith.constant 3 : index
    %get3A_15 = arith.constant 0 : index
    %get3A_16 = vector.load %arg3[%get3A_14, %get3A_15] : memref<4x128xi32, #tpu.memory_space<vmem>>, vector<1x128xi32>
    %eq3A_17 = vector.broadcast %get3A_16 : vector<1x128xi32> to vector<1000x128xi32>
    %eq3A_18 = arith.cmpi eq, %iota3A, %eq3A_17 : vector<1000x128xi32>
    %convert_element_type3A_19 = arith.extui %eq3A_18 : vector<1000x128xi1> to vector<1000x128xi32>
    %convert_element_type3A_20 = arith.sitofp %convert_element_type3A_19 : vector<1000x128xi32> to vector<1000x128xf32>
    %reduce_sum3A_21 = arith.constant dense<0.000000e+00> : vector<1000xf32>
    %reduce_sum3A_22 = vector.multi_reduction <add>, %convert_element_type3A_20, %reduce_sum3A_21 [1] : vector<1000x128xf32> to vector<1000xf32>
    %broadcast_in_dim3A_23 = vector.shape_cast %reduce_sum3A_22 : vector<1000xf32> to vector<1000x1xf32>
    %max3A = arith.constant 1.000000e+00 : f32
    %max3A_24 = vector.broadcast %max3A : f32 to vector<1000x1xf32>
    %max3A_25 = arith.maximumf %broadcast_in_dim3A, %max3A_24 : vector<1000x1xf32>
    %div3A = arith.constant 1.000000e+00 : f32
    %div3A_26 = vector.broadcast %div3A : f32 to vector<1000x1xf32>
    %div3A_27 = arith.divf %div3A_26, %max3A_25 : vector<1000x1xf32>
    %max3A_28 = arith.constant 1.000000e+00 : f32
    %max3A_29 = vector.broadcast %max3A_28 : f32 to vector<1000x1xf32>
    %max3A_30 = arith.maximumf %broadcast_in_dim3A_23, %max3A_29 : vector<1000x1xf32>
    %div3A_31 = arith.constant 1.000000e+00 : f32
    %div3A_32 = vector.broadcast %div3A_31 : f32 to vector<1000x1xf32>
    %div3A_33 = arith.divf %div3A_32, %max3A_30 : vector<1000x1xf32>
    %gt3A = arith.constant 0.000000e+00 : f32
    %gt3A_34 = vector.broadcast %gt3A : f32 to vector<1000x1xf32>
    %gt3A_35 = arith.cmpf ogt, %broadcast_in_dim3A, %gt3A_34 : vector<1000x1xf32>
    %mul3A = vector.broadcast %div3A_27 : vector<1000x1xf32> to vector<1000x32xf32>
    %mul3A_36 = arith.mulf %get3A_4, %mul3A : vector<1000x32xf32>
    %jit3A = arith.constant 0.000000e+00 : f32
    %broadcast_in_dim3A_37 = vector.shape_cast %gt3A_35 : vector<1000x1xi1> to vector<1000x1xi1>
    %broadcast_in_dim3A_38 = vector.broadcast %broadcast_in_dim3A_37 : vector<1000x1xi1> to vector<1000x32xi1>
    %broadcast_in_dim3A_39 = vector.broadcast %jit3A : f32 to vector<1000x32xf32>
    %select_n3A = arith.select %broadcast_in_dim3A_38, %mul3A_36, %broadcast_in_dim3A_39 : vector<1000x32xi1>, vector<1000x32xf32>
    %gt3A_40 = arith.constant 0.000000e+00 : f32
    %gt3A_41 = vector.broadcast %gt3A_40 : f32 to vector<1000x1xf32>
    %gt3A_42 = arith.cmpf ogt, %broadcast_in_dim3A_23, %gt3A_41 : vector<1000x1xf32>
    %mul3A_43 = vector.broadcast %div3A_33 : vector<1000x1xf32> to vector<1000x32xf32>
    %mul3A_44 = arith.mulf %get3A_7, %mul3A_43 : vector<1000x32xf32>
    %jit3A_45 = arith.constant 0.000000e+00 : f32
    %broadcast_in_dim3A_46 = vector.shape_cast %gt3A_42 : vector<1000x1xi1> to vector<1000x1xi1>
    %broadcast_in_dim3A_47 = vector.broadcast %broadcast_in_dim3A_46 : vector<1000x1xi1> to vector<1000x32xi1>
    %broadcast_in_dim3A_48 = vector.broadcast %jit3A_45 : f32 to vector<1000x32xf32>
    %select_n3A_49 = arith.select %broadcast_in_dim3A_47, %mul3A_44, %broadcast_in_dim3A_48 : vector<1000x32xi1>, vector<1000x32xf32>
    %concatenate3A = tpu.concatenate %select_n3A, %select_n3A_49, %get3A_1 in 1 : vector<1000x32xf32>, vector<1000x32xf32>, vector<1000x32xf32> -> vector<1000x96xf32>
    %broadcast_in_dim3A_50 = arith.constant 0.000000e+00 : f32
    %broadcast_in_dim3A_51 = vector.broadcast %broadcast_in_dim3A_50 : f32 to vector<32x32xf32>
    %get3A_52 = arith.constant 0 : index
    %get3A_53 = arith.constant 0 : index
    %get3A_54 = vector.load %arg4[%get3A_52, %get3A_53] : memref<32x32xf32, #tpu.memory_space<vmem>>, vector<32x32xf32>
    %concatenate3A_55 = tpu.concatenate %get3A_54, %broadcast_in_dim3A_51 in 0 : vector<32x32xf32>, vector<32x32xf32> -> vector<64x32xf32>
    %get3A_56 = arith.constant 0 : index
    %get3A_57 = arith.constant 0 : index
    %get3A_58 = vector.load %arg7[%get3A_56, %get3A_57] : memref<32x32xf32, #tpu.memory_space<vmem>>, vector<32x32xf32>
    %concatenate3A_59 = tpu.concatenate %broadcast_in_dim3A_51, %get3A_58 in 0 : vector<32x32xf32>, vector<32x32xf32> -> vector<64x32xf32>
    %get3A_60 = arith.constant 0 : index
    %get3A_61 = arith.constant 0 : index
    %get3A_62 = vector.load %arg5[%get3A_60, %get3A_61] : memref<32x32xf32, #tpu.memory_space<vmem>>, vector<32x32xf32>
    %get3A_63 = arith.constant 0 : index
    %get3A_64 = arith.constant 0 : index
    %get3A_65 = vector.load %arg8[%get3A_63, %get3A_64] : memref<32x32xf32, #tpu.memory_space<vmem>>, vector<32x32xf32>
    %concatenate3A_66 = tpu.concatenate %get3A_62, %get3A_65 in 0 : vector<32x32xf32>, vector<32x32xf32> -> vector<64x32xf32>
    %concatenate3A_67 = tpu.concatenate %concatenate3A_55, %concatenate3A_59, %concatenate3A_66 in 1 : vector<64x32xf32>, vector<64x32xf32>, vector<64x32xf32> -> vector<64x96xf32>
    %get3A_68 = arith.constant 0 : index
    %get3A_69 = arith.constant 0 : index
    %get3A_70 = vector.load %arg6[%get3A_68, %get3A_69] : memref<1x32xf32, #tpu.memory_space<vmem>>, vector<1x32xf32>
    %get3A_71 = arith.constant 0 : index
    %get3A_72 = arith.constant 0 : index
    %get3A_73 = vector.load %arg9[%get3A_71, %get3A_72] : memref<1x32xf32, #tpu.memory_space<vmem>>, vector<1x32xf32>
    %concatenate3A_74 = tpu.concatenate %get3A_70, %get3A_73 in 1 : vector<1x32xf32>, vector<1x32xf32> -> vector<1x64xf32>
    %dot_general3A = arith.constant dense<0.000000e+00> : vector<1000x64xf32>
    %dot_general3A_75 = tpu.matmul %concatenate3A, %concatenate3A_67, %dot_general3A {dimension_numbers = #tpu.dot_dimension_numbers<[1], [1], [0], [0], [0, 0, 1, 0], [], []>, transpose_lhs_hint = false} : vector<1000x96xf32>, vector<64x96xf32>, vector<1000x64xf32> -> vector<1000x64xf32>
    %add3A = vector.broadcast %concatenate3A_74 : vector<1x64xf32> to vector<1000x64xf32>
    %add3A_76 = arith.addf %dot_general3A_75, %add3A : vector<1000x64xf32>
    %max3A_77 = arith.constant 0.000000e+00 : f32
    %max3A_78 = vector.broadcast %max3A_77 : f32 to vector<1000x64xf32>
    %max3A_79 = arith.maximumf %add3A_76, %max3A_78 : vector<1000x64xf32>
    %broadcast_in_dim3A_80 = arith.constant 0.000000e+00 : f32
    %broadcast_in_dim3A_81 = vector.broadcast %broadcast_in_dim3A_80 : f32 to vector<1000x64xf32>
    %concatenate3A_82 = tpu.concatenate %max3A_79, %broadcast_in_dim3A_81 in 1 : vector<1000x64xf32>, vector<1000x64xf32> -> vector<1000x128xf32>
    %swap3A = arith.constant 0 : index
    %swap3A_83 = arith.constant 0 : index
    %swap3A_84 = vector.load %arg10[%swap3A, %swap3A_83] : memref<1000x128xf32, #tpu.memory_space<vmem>>, vector<1000x128xf32>
    tpu.vector_store %arg10[%swap3A, %swap3A_83], %concatenate3A_82 {strides = array<i32>} : memref<1000x128xf32, #tpu.memory_space<vmem>>, vector<1000x128xf32>,
    %gt3A_85 = arith.constant 0.000000e+00 : f32
    %gt3A_86 = vector.broadcast %gt3A_85 : f32 to vector<1000x1xf32>
    %gt3A_87 = arith.cmpf ogt, %broadcast_in_dim3A, %gt3A_86 : vector<1000x1xf32>
    %jit3A_88 = arith.constant 0.000000e+00 : f32
    %broadcast_in_dim3A_89 = vector.broadcast %jit3A_88 : f32 to vector<1000x1xf32>
    %select_n3A_90 = arith.select %gt3A_87, %div3A_27, %broadcast_in_dim3A_89 : vector<1000x1xi1>, vector<1000x1xf32>
    %gt3A_91 = arith.constant 0.000000e+00 : f32
    %gt3A_92 = vector.broadcast %gt3A_91 : f32 to vector<1000x1xf32>
    %gt3A_93 = arith.cmpf ogt, %broadcast_in_dim3A_23, %gt3A_92 : vector<1000x1xf32>
    %jit3A_94 = arith.constant 0.000000e+00 : f32
    %broadcast_in_dim3A_95 = vector.broadcast %jit3A_94 : f32 to vector<1000x1xf32>
    %select_n3A_96 = arith.select %gt3A_93, %div3A_33, %broadcast_in_dim3A_95 : vector<1000x1xi1>, vector<1000x1xf32>
    %concatenate3A_97 = tpu.concatenate %select_n3A_90, %select_n3A_96 in 1 : vector<1000x1xf32>, vector<1000x1xf32> -> vector<1000x2xf32>
    %swap3A_98 = arith.constant 0 : index
    %swap3A_99 = arith.constant 0 : index
    %swap3A_100 = vector.load %arg11[%swap3A_98, %swap3A_99] : memref<1000x2xf32, #tpu.memory_space<vmem>>, vector<1000x2xf32>
    tpu.vector_store %arg11[%swap3A_98, %swap3A_99], %concatenate3A_97 {strides = array<i32>} : memref<1000x2xf32, #tpu.memory_space<vmem>>, vector<1000x2xf32>,
    return
  }
}

</mosaic_0001>

<sc_bundles>
// kernel: kernel.6.cloned.1.call-start
scs
__scs_entry_jumppad:
0x0: {  	(pc) =	sbr.rel $0x88, $3  }
0x1: {  	(tag) =	ssettag $0x0;
	lr =	simm.s32 $0x1  }
0x2: {  	[smem:$0x3F92] =	sst lr;
	_ =	strace $0xD0000000  }
0x3: {  	_ = 	snop  }
0x4: {  	_ = 	snop  }
0x5: {  	_ = 	snop  }
0x6: {  	_ = 	snop  }
0x7: {  	_ = 	snop  }
__scs_overlays_trampoline_lowered:
0x8: {  	[smem:$0x3FA1] =	sst s0  }
0x9: {  	[smem:$0x3FA2] =	sst s1  }
0xa: {  	[smem:$0x3FA3] =	sst s2  }
0xb: {  	[smem:$0x3FA4] =	sst s3  }
0xc: {  	[smem:$0x3FA5] =	sst s4  }
0xd: {  	[smem:$0x3FA6] =	sst s5  }
0xe: {  	[smem:$0x3FA7] =	sst s6  }
0xf: {  	[smem:$0x3FA8] =	sst s7  }
0x10: {  	[smem:$0x3FA9] =	sst s8  }
0x11: {  	[smem:$0x3FAA] =	sst s9;
	s0 =	simm.s32 @!p0 $0x0  }
0x12: {  	s1 =	sld [smem:$0x3F90];
	s0 =	simm.s32 @p0 $0x1  }
0x13: {  	[smem:$0x3FAB] =	sst s0;
	s0 =	simm.s32 @!p1 $0x0  }
0x14: {  	s2 =	sld [smem:$0x3F8F];
	s0 =	simm.s32 @p1 $0x1  }
0x15: {  	[smem:$0x3FAC] =	sst s0;
	s0 =	simm.s32 @!p2 $0x0  }
0x16: {  	s3 =	sld [smem:$0x3FDB];
	s0 =	simm.s32 @p2 $0x1  }
0x17: {  	s4 =	simm.s32 $0x1BF5;
	[smem:$0x3FAE] =	sst s0  }
0x18: {  	s0 =	sld [smem:$0x3F91];
	_ =	swait.ge [sflag:s4], $0x0  }
0x19: {  	s7 =	sld [smem:$0x3F92]  }
0x1a: {  	s8 =	sadd.s32 $0xFFFFE003, lr  }
0x1b: {  	s9 =	sadd.s32 $0xFFFFFEF7, lr;
	s5 =	simm.s32 $0xFFFFFFFF;
	p2 =	slt.u32 s8, $0xFFFFF086  }
0x1c: {  	p1 =	slt.u32 s9, $0xF7A;
	s5 =	simm.s32 @!p2 $0x0  }
0x1d: {  	s5 =	simm.s32 @p1 $0x1;
	p0 =	seq.s32 s7, s2  }
0x1e: {  	s7 =	smul.u32 @!p0 $0xF7A, s2;
	p2 =	seq.s32 @!p0 s5, $0x0  }
0x1f: {  	s9 =	smul.u32 $0xF7A, s1;
	s8 =	simm.s32 @!p0 $0x1BF5;
	p2 =	por !p2, p0  }
0x20: {  	[sflag:s8] =	ssyncset.s32 @!p0 $0xFFFFF086;
	s6 =	sadd.s32 @!p0 s3, s7;
	s7 =	simm.s32 @!p0 $0x108  }
0x21: {  	s3 =	sadd.s32 s3, s9;
	s6 =	sadd.s32 @!p0 $0x88, s6;
	s7 =	simm.s32 @p2 $0x1082  }
0x22: {  	[simem:s7], [sflag:s8] =	dma.local @!p0 [hbm:s6], $0xF7A  }
0x23: {  	s9 =	sor.u32 $0xD0000000, s2;
	s6 =	simm.s32 $0x108;
	_ =	swait.ge @!p0 [sflag:s8], $0x0  }
0x24: {  	s3 =	sadd.s32 $0x88, s3;
	s6 =	simm.s32 @!p1 $0x1082;
	[sflag:s4] =	ssyncset.s32 $0xFFFFF086  }
0x25: {  	[simem:s6], [sflag:s4] =	dma.local [hbm:s3], $0xF7A  }
0x26: {  	[smem:$0x3F92] =	sst s1;
	(tag) =	ssettag s2;
	_ =	strace s9  }
0x27: {  	s1 =	sld [smem:$0x3FA2]  }
0x28: {  	s2 =	sld [smem:$0x3FA3]  }
0x29: {  	s4 =	sld [smem:$0x3FA5]  }
0x2a: {  	p0 =	seq.s32 s5, $0x0;
	s5 =	sld [smem:$0x3FA6]  }
0x2b: {  	s6 =	sld [smem:$0x3FA7]  }
0x2c: {  	s7 =	sld [smem:$0x3FA8]  }
0x2d: {  	s3 =	simm.s32 $0x108;
	s8 =	sld [smem:$0x3FA9]  }
0x2e: {  	s3 =	simm.s32 @!p0 $0x1082;
	s9 =	sld [smem:$0x3FAA]  }
0x2f: {  	lr =	sadd.s32 s0, s3;
	s0 =	sld [smem:$0x3FA1]  }
0x30: {  	s3 =	sld [smem:$0x3FA4]  }
0x31: {  	[smem:$0x3FAD] =	sst s10  }
0x32: {  	s10 =	sld [smem:$0x3FAB];
	_ =	sdelay $0x3  }
0x33: {  	p0 =	seq.s32 s10, $0x1;
	s10 =	sld [smem:$0x3FAD];
	_ =	sdelay $0x3  }
0x34: {  	[smem:$0x3FAD] =	sst s10  }
0x35: {  	s10 =	sld [smem:$0x3FAC];
	_ =	sdelay $0x3  }
0x36: {  	p1 =	seq.s32 s10, $0x1;
	s10 =	sld [smem:$0x3FAD];
	_ =	sdelay $0x3  }
0x37: {  	[smem:$0x3FAD] =	sst s10  }
0x38: {  	s10 =	sld [smem:$0x3FAE]  }
0x39: {  	_ = 	snop;
	(pc) =	sbr.ind lr, $3  }
0x3a: {  	_ = 	snop  }
0x3b: {  	_ = 	snop  }
0x3c: {  	p2 =	seq.s32 s10, $0x1;
	s10 =	sld [smem:$0x3FAD]  }
0x3d: {  	_ =	shalt  }
0x3e: {  	_ =	shalt  }
0x3f: {  	_ =	shalt  }
0x40: {  	_ =	shalt  }
0x41: {  	_ =	shalt  }
0x42: {  	_ =	shalt  }
0x43: {  	_ =	shalt  }
0x44: {  	_ =	shalt  }
0x45: {  	_ =	shalt  }
0x46: {  	_ =	shalt  }
0x47: {  	_ =	shalt  }
0x48: {  	_ =	shalt  }
0x49: {  	_ =	shalt  }
0x4a: {  	_ =	shalt  }
0x4b: {  	_ =	shalt  }
0x4c: {  	_ =	shalt  }
0x4d: {  	_ =	shalt  }
0x4e: {  	_ =	shalt  }
0x4f: {  	_ =	shalt  }
0x50: {  	_ =	shalt  }
0x51: {  	_ =	shalt  }
0x52: {  	_ =	shalt  }
0x53: {  	_ =	shalt  }
0x54: {  	_ =	shalt  }
0x55: {  	_ =	shalt  }
0x56: {  	_ =	shalt  }
0x57: {  	_ =	shalt  }
0x58: {  	_ =	shalt  }
0x59: {  	_ =	shalt  }
0x5a: {  	_ =	shalt  }
0x5b: {  	_ =	shalt  }
0x5c: {  	_ =	shalt  }
0x5d: {  	_ =	shalt  }
0x5e: {  	_ =	shalt  }
0x5f: {  	_ =	shalt  }
0x60: {  	_ =	shalt  }
0x61: {  	_ =	shalt  }
0x62: {  	_ =	shalt  }
0x63: {  	_ =	shalt  }
0x64: {  	_ =	shalt  }
0x65: {  	_ =	shalt  }
0x66: {  	_ =	shalt  }
0x67: {  	_ =	shalt  }
0x68: {  	_ =	shalt  }
0x69: {  	_ =	shalt  }
0x6a: {  	_ =	shalt  }
0x6b: {  	_ =	shalt  }
0x6c: {  	_ =	shalt  }
0x6d: {  	_ =	shalt  }
0x6e: {  	_ =	shalt  }
0x6f: {  	_ =	shalt  }
0x70: {  	_ =	shalt  }
0x71: {  	_ =	shalt  }
0x72: {  	_ =	shalt  }
0x73: {  	_ =	shalt  }
0x74: {  	_ =	shalt  }
0x75: {  	_ =	shalt  }
0x76: {  	_ =	shalt  }
0x77: {  	_ =	shalt  }
0x78: {  	_ =	shalt  }
0x79: {  	_ =	shalt  }
0x7a: {  	_ =	shalt  }
0x7b: {  	_ =	shalt  }
0x7c: {  	_ =	shalt  }
0x7d: {  	_ =	shalt  }
0x7e: {  	_ =	shalt  }
0x7f: {  	_ =	shalt  }
0x80: {  	_ =	shalt  }
0x81: {  	_ =	shalt  }
0x82: {  	_ =	shalt  }
0x83: {  	_ =	shalt  }
0x84: {  	_ =	shalt  }
0x85: {  	_ =	shalt  }
0x86: {  	_ =	shalt  }
0x87: {  	_ =	shalt  }
.Lfunc_end0:
.L_simem_size_0:
called_computation_lowered:
.L_overlay_start_0:
0x88: {  	s2 =	sld [smem:$0x3FD9]  }
0x89: {  	s3 =	sld [smem:$0x3FFE];
	_ =	sdelay $0x1  }
0x8a: {  	s1 =	srdreg.scid  }
0x8b: {  	s0 =	sand.u32 $0x1, s1  }
0x8c: {  	s17 =	sshll.u32 s0, $0xA;
	s2 =	sadd.s32 s3, s2  }
0x8d: {  	s2 =	sadd.s32 s2, s17  }
0x8e: {  	[smem:$0x3FB9] =	sst s2  }
0x8f: {  	_ = 	snop  }
0x90: {  	s2 =	sld [smem:$0x3FD0];
	(tm) =	ssettm $0x1  }
0x91: {  	s18 =	sld [smem:$0x3FFB];
	_ =	sdelay $0x3  }
0x92: {  	_ =	strace s18  }
0x93: {  	s3 =	sld [smem:$0x3FFC];
	_ =	sdelay $0x3  }
0x94: {  	_ =	strace s3  }
0x95: {  	s3 =	sld [smem:$0x3FFD];
	_ =	sdelay $0x3  }
0x96: {  	_ =	strace s3  }
0x97: {  	_ =	strace $0x8FFFFFFF  }
0x98: {  	s19 =	sld [smem:$0x3FDB];
	_ =	sdelay $0x1  }
0x99: {  	s4 =	simm.s32 $_scs_section_size  }
0x9a: {  	s5 =	simm.s32 $_size__tile_overlayer_lowered;
	s6 =	simm.s32 $_tile_overlayer_lowered  }
0x9b: {  	s22 =	simm.s32 $0x1BFF;
	s21 =	sshll.u32 s6, $0x1;
	s3 =	sadd.s32 s4, s19  }
0x9c: {  	s7 =	simm.s32 $0x0;
	s20 =	sshll.u32 s5, $0x1;
	s5 =	sadd.s32 s21, s3  }
0x9d: {  	[timem:s7], [sflag:s22] =	dma.local [hbm:s5], s20  }
0x9e: {  	_ =	swait.ge [sflag:s22], s20  }
0x9f: {  	s4 =	ssub.s32 $0x0, s20;
	[sflag:s22] =	ssyncset.done $0x0  }
0xa0: {  	[sflag:s22] =	ssyncadd.s32 s4;
	_ =	sdelay $0x1  }
0xa1: {  	s23 =	simm.s32 $0x1B8B  }
0xa2: {  	_ =	swait.ge [sflag:s23], $0x1  }
0xa3: {  	[sflag:s23] =	ssyncset.done $0x0  }
0xa4: {  	s25 =	simm.s32 $0x1B8E;
	s24 =	sld [smem:$0x3FFE];
	[sflag:s23] =	ssyncadd.s32 $0xFFFFFFFF  }
0xa5: {  	s26 =	simm.s32 $execute0_lowered;
	[smem:$0x3FD2] =	sst s25  }
0xa6: {  	s5 =	sshll.u32 s26, $0x1;
	_ =	strace $0x80000046;
	[dreg:$0x1] =	wrdreg $0xFFFFFFFF  }
0xa7: {  	s28 =	simm.s32 $_size_execute0_lowered;
	s3 =	sadd.s32 s3, s5;
	[dreg:$0x0] =	wrdreg $0x0  }
0xa8: {  	s5 =	sshll.u32 s28, $0x1;
	[dreg:$0x2] =	wrdreg s3  }
0xa9: {  	[dreg:$0x3] =	wrdreg s5  }
0xaa: {  	[dreg:$0x4] =	wrdreg $0xC0  }
0xab: {  	_ =	task [dreg:s7], $0x5FFFF  }
0xac: {  	[dreg:$0x1] =	wrdreg $0xFFFFFFFF  }
0xad: {  	[dreg:$0x0] =	wrdreg $0x60  }
0xae: {  	[dreg:$0x2] =	wrdreg s24  }
0xaf: {  	[dreg:$0x3] =	wrdreg s2  }
0xb0: {  	[dreg:$0x4] =	wrdreg $0x9000  }
0xb1: {  	[dreg:$0x5] =	wrdreg $0x9  }
0xb2: {  	_ =	task.clear_ibuf [dreg:s7], $0x6FFFF;
	_ =	strace $0x90000046  }
0xb3: {  	s29 =	simm.s32 $0x9;
	_ =	strace $0x80000048  }
0xb4: {  	_ =	swait.ge [sflag:s29], $0x1  }
0xb5: {  	[sflag:s29] =	ssyncadd.s32 $0xFFFFFFFF  }
0xb6: {  	_ =	strace $0x90000048  }
0xb7: {  	_ =	sfence  }
0xb8: {  	s30 =	sld [smem:$0x0];
	_ =	sdelay $0x2  }
0xb9: {  	s31 =	sshll.u32 s1, $0xD;
	s1 =	sshrl.u32 s1, $0x2  }
0xba: {  	s3 =	sand.u32 $0x4000, s31;
	s1 =	sadd.s32 s1, s30  }
0xbb: {  	s0 =	sor.u32 s3, s0;
	s1 =	sshll.u32 s1, $0x11  }
0xbc: {  	s0 =	sor.u32 s1, s0  }
0xbd: {  	s0 =	sadd.s32 $0x8F2B, s0  }
0xbe: {  	[sflag:s0] =	ssyncadd.remote.s32 $0x1  }
0xbf: {  	_ =	sfence.sel $0xFFFF  }
0xc0: {  	[dreg:$0x0] =	wrdreg $0xFFFFFFFF;
	(pc) =	sbr.abs _section_cstart, $3  }
0xc1: {  	[dreg:$0x1] =	wrdreg $0xFFFFFFFF  }
0xc2: {  	_ =	task.clear_ibuf [dreg:s7], $0x2FFFF;
	_ =	strace $0x9FFFFFFF  }
0xc3: {  	(tm) =	ssettm $0x7FFFFFFF  }
tec
execute0_lowered:
.L_overlay_start_1:
0x0: {  	(tag) =	ssettag $0x1  }
0x1: {  	s8 =	rddreg [dreg:$0x0]  }
0x2: {  	s5 =	rddreg [dreg:$0x1]  }
0x3: {  	s1 =	rddreg [dreg:$0x2]  }
0x4: {  	s0 =	rddreg [dreg:$0x3];
	s2 =	simm.s32 $0x0  }
0x5: {  	s3 =	srdreg.scid;
	s11 =	simm.s32 $0xC000;
	s12 =	simm.s32 $0x100  }
0x6: {  	s13 =	simm.s32 $0x1;
	s14 =	simm.s32 $0x500;
	s15 =	simm.s32 $0x3  }
0x7: {  	s16 =	simm.s32 $0x4;
	s17 =	simm.s32 $0x5;
	[smem:$0x7FF] =	sst s2  }
0x8: {  	s6 =	sand.u32 $0x1, s3;
	s4 =	sadd.s32 $0x4000, s8;
	s3 =	stileid.u32  }
0x9: {  	_ =	strace $0x80000047;
	s7 =	ssub.s32 $0x2, s6;
	s10 =	sshll.u32 s6, $0x4  }
0xa: {  	p0 =	seq.s32 s6, $0x1;
	s9 =	sshrl.u32 s7, $0x1;
	s10 =	sor.u32 s3, s10  }
0xb: {  	s11 =	simm.s32 @!p0 $0x8000;
	s7 =	ssub.s32 s7, s9;
	s5 =	sadd.s32 s5, s10  }
0xc: {  	s8 =	sadd.s32 s11, s8;
	s9 =	simm.s32 $0x80;
	s10 =	simm.s32 $0x2  }
0xd: {  	v0 =	vimm.f32 $0.0e+00;
	s11 =	simm.s32 $0x8;
	s6 =	sadd.s32 $0x20, s5;
	s7 =	smax.u32 s7, $0x1  }
.LBB2_1:
0xe: {  	[tilespmem:s9], [sflag:$0x2] =	stream.linear.gather [hbm4b:s6+s2], $0x8, $0x38;
	[tilespmem:$0x2900] =	vst v63  }
0xf: {  	_ = 	snop  }
0x10: {  	[tilespmem:s2], [sflag:$0x1] =	stream.linear.gather [hbm4b:s5+s2], $0x8, $0x38;
	[tilespmem:$0x2900] =	vst v63  }
0x11: {  	[tilespmem:$0x100] =	vst v0  }
0x12: {  	[tilespmem:$0x110] =	vst v0  }
0x13: {  	[tilespmem:$0x120] =	vst v0  }
0x14: {  	[tilespmem:$0x130] =	vst v0  }
0x15: {  	[tilespmem:$0x140] =	vst v0  }
0x16: {  	[tilespmem:$0x150] =	vst v0  }
0x17: {  	[tilespmem:$0x160] =	vst v0  }
0x18: {  	[tilespmem:$0x170] =	vst v0  }
0x19: {  	[tilespmem:$0x180] =	vst v0  }
0x1a: {  	[tilespmem:$0x190] =	vst v0  }
0x1b: {  	[tilespmem:$0x1A0] =	vst v0  }
0x1c: {  	[tilespmem:$0x1B0] =	vst v0  }
0x1d: {  	[tilespmem:$0x1C0] =	vst v0  }
0x1e: {  	[tilespmem:$0x1D0] =	vst v0  }
0x1f: {  	[tilespmem:$0x1E0] =	vst v0  }
0x20: {  	[tilespmem:$0x1F0] =	vst v0  }
0x21: {  	[tilespmem:$0x200] =	vst v0  }
0x22: {  	[tilespmem:$0x210] =	vst v0  }
0x23: {  	[tilespmem:$0x220] =	vst v0  }
0x24: {  	[tilespmem:$0x230] =	vst v0  }
0x25: {  	[tilespmem:$0x240] =	vst v0  }
0x26: {  	[tilespmem:$0x250] =	vst v0  }
0x27: {  	[tilespmem:$0x260] =	vst v0  }
0x28: {  	[tilespmem:$0x270] =	vst v0  }
0x29: {  	[tilespmem:$0x280] =	vst v0  }
0x2a: {  	[tilespmem:$0x290] =	vst v0  }
0x2b: {  	[tilespmem:$0x2A0] =	vst v0  }
0x2c: {  	[tilespmem:$0x2B0] =	vst v0  }
0x2d: {  	[tilespmem:$0x2C0] =	vst v0  }
0x2e: {  	[tilespmem:$0x2D0] =	vst v0  }
0x2f: {  	[tilespmem:$0x2E0] =	vst v0  }
0x30: {  	[tilespmem:$0x2F0] =	vst v0  }
0x31: {  	[tilespmem:$0x300] =	vst v0  }
0x32: {  	[tilespmem:$0x310] =	vst v0  }
0x33: {  	[tilespmem:$0x320] =	vst v0  }
0x34: {  	[tilespmem:$0x330] =	vst v0  }
0x35: {  	[tilespmem:$0x340] =	vst v0  }
0x36: {  	[tilespmem:$0x350] =	vst v0  }
0x37: {  	[tilespmem:$0x360] =	vst v0  }
0x38: {  	[tilespmem:$0x370] =	vst v0  }
0x39: {  	[tilespmem:$0x380] =	vst v0  }
0x3a: {  	[tilespmem:$0x390] =	vst v0  }
0x3b: {  	[tilespmem:$0x3A0] =	vst v0  }
0x3c: {  	[tilespmem:$0x3B0] =	vst v0  }
0x3d: {  	[tilespmem:$0x3C0] =	vst v0  }
0x3e: {  	[tilespmem:$0x3D0] =	vst v0  }
0x3f: {  	[tilespmem:$0x3E0] =	vst v0  }
0x40: {  	[tilespmem:$0x3F0] =	vst v0  }
0x41: {  	[tilespmem:$0x400] =	vst v0  }
0x42: {  	[tilespmem:$0x410] =	vst v0  }
0x43: {  	[tilespmem:$0x420] =	vst v0  }
0x44: {  	[tilespmem:$0x430] =	vst v0  }
0x45: {  	[tilespmem:$0x440] =	vst v0  }
0x46: {  	[tilespmem:$0x450] =	vst v0  }
0x47: {  	[tilespmem:$0x460] =	vst v0  }
0x48: {  	[tilespmem:$0x470] =	vst v0  }
0x49: {  	[tilespmem:$0x480] =	vst v0  }
0x4a: {  	[tilespmem:$0x490] =	vst v0  }
0x4b: {  	[tilespmem:$0x4A0] =	vst v0  }
0x4c: {  	[tilespmem:$0x4B0] =	vst v0  }
0x4d: {  	[tilespmem:$0x4C0] =	vst v0  }
0x4e: {  	[tilespmem:$0x4D0] =	vst v0  }
0x4f: {  	[tilespmem:$0x4E0] =	vst v0  }
0x50: {  	[tilespmem:$0x4F0] =	vst v0  }
0x51: {  	_ =	swait.ge [sflag:s10], $0x8  }
0x52: {  	[sflag:s10] =	ssyncset.done $0x0  }
0x53: {  	[sflag:s10] =	ssyncadd.s32 $0xFFFFFFF8  }
0x54: {  	[spmem:s1] =	stream.indirect.scatter [tilespmem:s12], [sflag:$0x4], $0x80, s9, s11, $0xb8;
	[tilespmem:$0x2900] =	vst v63  }
0x55: {  	_ =	swait.ge [sflag:s13], $0x8  }
0x56: {  	[sflag:s13] =	ssyncset.done $0x0  }
0x57: {  	[sflag:s13] =	ssyncadd.s32 $0xFFFFFFF8  }
0x58: {  	[tilespmem:s14], [sflag:$0x3] =	stream.indirect.gather [hbm4b:s4+s11], $0x80, s2, s11, $0xb8;
	[tilespmem:$0x2900] =	vst v63  }
0x59: {  	_ =	swait.ge [sflag:s15], $0x400  }
0x5a: {  	[sflag:s15] =	ssyncset.done $0x0  }
0x5b: {  	[sflag:s15] =	ssyncadd.s32 $0xFFFFFC00  }
0x5c: {  	_ =	swait.ge [sflag:s16], $0x400  }
0x5d: {  	[sflag:s16] =	ssyncset.done $0x0  }
0x5e: {  	[sflag:s16] =	ssyncadd.s32 $0xFFFFFC00  }
0x5f: {  	[bflag:$0x0] =	sbarrier.arrive $0xFFFF  }
0x60: {  	[spmem:s1] =	stream.indirect.scatter.add.f32 [tilespmem:s14], [sflag:$0x5], $0x80, s9, s11, $0xb8;
	[tilespmem:$0x2900] =	vst v63  }
0x61: {  	_ =	swait.ge [sflag:s17], $0x400  }
0x62: {  	[sflag:s17] =	ssyncset.done $0x0  }
0x63: {  	[sflag:s17] =	ssyncadd.s32 $0xFFFFFC00  }
0x64: {  	[bflag:$0x0] =	sbarrier.arrive $0xFFFF  }
0x65: {  	[tilespmem:s14], [sflag:$0x3] =	stream.indirect.gather [spmem:s1], $0x80, s9, s11, $0xb8;
	[tilespmem:$0x2900] =	vst v63  }
0x66: {  	_ =	swait.ge [sflag:s15], $0x400  }
0x67: {  	p0 =	sne.s32 s7, $0x1;
	[sflag:s15] =	ssyncset.done $0x0  }
.Ltmp0:
0x68: {  	[sflag:s15] =	ssyncadd.s32 $0xFFFFFC00;
	(pc) =	sbr.rel @p0 .LBB2_1-.Ltmp0, $4  }
0x69: {  	[hbm4b:s8+s11] =	stream.indirect.scatter [tilespmem:s14], [sflag:$0x5], $0x80, s9, s11, $0xb8;
	[tilespmem:$0x2900] =	vst v63  }
0x6a: {  	_ =	swait.ge [sflag:s17], $0x400  }
0x6b: {  	[sflag:s17] =	ssyncset.done $0x0  }
0x6c: {  	s7 =	sadd.s32 $0xFFFFFFFF, s7;
	[sflag:s17] =	ssyncadd.s32 $0xFFFFFC00  }
0x6d: {  	_ =	sfence.sel $0x180000  }
0x6e: {  	[bflag:$0x0] =	sbarrier.arrive $0xFFFF  }
0x6f: {  	p0 =	sne.s32 s3, $0x0;
	_ =	strace $0x90000047  }
0x70: {  	s0 =	sadd.s32 @!p0 $0x100000, s0;
	[bflag:$0x2] =	sbarrier.arrive $0xFFFF  }
0x71: {  	[sflag:s0] =	ssyncadd.tile.s32 @!p0 $0x1;
	_ =	shalt  }
.Lfunc_end2:
_tile_overlayer_lowered:
.L_overlay_start_2:
0x72: {  	(tag) =	ssettag $0x2  }
0x73: {  	s0 =	rddreg [dreg:$0x0];
	s2 =	stileid.u32  }
0x74: {  	s1 =	rddreg [dreg:$0x1];
	p0 =	sne.s32 s2, $0x0  }
0x75: {  	s3 =	rddreg [dreg:$0x2];
	[bflag:$0x3] =	sbarrier.arrive $0xFFFF;
	s2 =	simm.s32 @!p0 $0x1C05  }
0x76: {  	[timem:s3], [sflag:s2] =	dma.local @!p0 [hbm:s0], s1  }
0x77: {  	s0 =	simm.s32 @!p0 $0x5  }
0x78: {  	_ =	swait.ge @!p0 [sflag:s0], s1  }
0x79: {  	s1 =	ssub.s32 @!p0 $0x0, s1;
	[sflag:s0] =	ssyncset.done @!p0 $0x0  }
0x7a: {  	[sflag:s0] =	ssyncadd.s32 @!p0 s1  }
0x7b: {  	[bflag:$0x3] =	sbarrier.arrive $0xFFFF  }
0x7c: {  	_ =	shalt  }

// kernel: kernel.9.cloned.1.call-start
scs
__scs_entry_jumppad:
0x0: {  	(pc) =	sbr.rel $0x88, $3  }
0x1: {  	(tag) =	ssettag $0x0;
	lr =	simm.s32 $0x1  }
0x2: {  	[smem:$0x3F92] =	sst lr;
	_ =	strace $0xD0000000  }
0x3: {  	_ = 	snop  }
0x4: {  	_ = 	snop  }
0x5: {  	_ = 	snop  }
0x6: {  	_ = 	snop  }
0x7: {  	_ = 	snop  }
__scs_overlays_trampoline_lowered:
0x8: {  	[smem:$0x3FA1] =	sst s0  }
0x9: {  	[smem:$0x3FA2] =	sst s1  }
0xa: {  	[smem:$0x3FA3] =	sst s2  }
0xb: {  	[smem:$0x3FA4] =	sst s3  }
0xc: {  	[smem:$0x3FA5] =	sst s4  }
0xd: {  	[smem:$0x3FA6] =	sst s5  }
0xe: {  	[smem:$0x3FA7] =	sst s6  }
0xf: {  	[smem:$0x3FA8] =	sst s7  }
0x10: {  	[smem:$0x3FA9] =	sst s8  }
0x11: {  	[smem:$0x3FAA] =	sst s9;
	s0 =	simm.s32 @!p0 $0x0  }
0x12: {  	s1 =	sld [smem:$0x3F90];
	s0 =	simm.s32 @p0 $0x1  }
0x13: {  	[smem:$0x3FAB] =	sst s0;
	s0 =	simm.s32 @!p1 $0x0  }
0x14: {  	s2 =	sld [smem:$0x3F8F];
	s0 =	simm.s32 @p1 $0x1  }
0x15: {  	[smem:$0x3FAC] =	sst s0;
	s0 =	simm.s32 @!p2 $0x0  }
0x16: {  	s3 =	sld [smem:$0x3FDB];
	s0 =	simm.s32 @p2 $0x1  }
0x17: {  	s4 =	simm.s32 $0x1BF5;
	[smem:$0x3FAE] =	sst s0  }
0x18: {  	s0 =	sld [smem:$0x3F91];
	_ =	swait.ge [sflag:s4], $0x0  }
0x19: {  	s7 =	sld [smem:$0x3F92]  }
0x1a: {  	s8 =	sadd.s32 $0xFFFFE003, lr  }
0x1b: {  	s9 =	sadd.s32 $0xFFFFFEF7, lr;
	s5 =	simm.s32 $0xFFFFFFFF;
	p2 =	slt.u32 s8, $0xFFFFF086  }
0x1c: {  	p1 =	slt.u32 s9, $0xF7A;
	s5 =	simm.s32 @!p2 $0x0  }
0x1d: {  	s5 =	simm.s32 @p1 $0x1;
	p0 =	seq.s32 s7, s2  }
0x1e: {  	s7 =	smul.u32 @!p0 $0xF7A, s2;
	p2 =	seq.s32 @!p0 s5, $0x0  }
0x1f: {  	s9 =	smul.u32 $0xF7A, s1;
	s8 =	simm.s32 @!p0 $0x1BF5;
	p2 =	por !p2, p0  }
0x20: {  	[sflag:s8] =	ssyncset.s32 @!p0 $0xFFFFF086;
	s6 =	sadd.s32 @!p0 s3, s7;
	s7 =	simm.s32 @!p0 $0x108  }
0x21: {  	s3 =	sadd.s32 s3, s9;
	s6 =	sadd.s32 @!p0 $0x88, s6;
	s7 =	simm.s32 @p2 $0x1082  }
0x22: {  	[simem:s7], [sflag:s8] =	dma.local @!p0 [hbm:s6], $0xF7A  }
0x23: {  	s9 =	sor.u32 $0xD0000000, s2;
	s6 =	simm.s32 $0x108;
	_ =	swait.ge @!p0 [sflag:s8], $0x0  }
0x24: {  	s3 =	sadd.s32 $0x88, s3;
	s6 =	simm.s32 @!p1 $0x1082;
	[sflag:s4] =	ssyncset.s32 $0xFFFFF086  }
0x25: {  	[simem:s6], [sflag:s4] =	dma.local [hbm:s3], $0xF7A  }
0x26: {  	[smem:$0x3F92] =	sst s1;
	(tag) =	ssettag s2;
	_ =	strace s9  }
0x27: {  	s1 =	sld [smem:$0x3FA2]  }
0x28: {  	s2 =	sld [smem:$0x3FA3]  }
0x29: {  	s4 =	sld [smem:$0x3FA5]  }
0x2a: {  	p0 =	seq.s32 s5, $0x0;
	s5 =	sld [smem:$0x3FA6]  }
0x2b: {  	s6 =	sld [smem:$0x3FA7]  }
0x2c: {  	s7 =	sld [smem:$0x3FA8]  }
0x2d: {  	s3 =	simm.s32 $0x108;
	s8 =	sld [smem:$0x3FA9]  }
0x2e: {  	s3 =	simm.s32 @!p0 $0x1082;
	s9 =	sld [smem:$0x3FAA]  }
0x2f: {  	lr =	sadd.s32 s0, s3;
	s0 =	sld [smem:$0x3FA1]  }
0x30: {  	s3 =	sld [smem:$0x3FA4]  }
0x31: {  	[smem:$0x3FAD] =	sst s10  }
0x32: {  	s10 =	sld [smem:$0x3FAB];
	_ =	sdelay $0x3  }
0x33: {  	p0 =	seq.s32 s10, $0x1;
	s10 =	sld [smem:$0x3FAD];
	_ =	sdelay $0x3  }
0x34: {  	[smem:$0x3FAD] =	sst s10  }
0x35: {  	s10 =	sld [smem:$0x3FAC];
	_ =	sdelay $0x3  }
0x36: {  	p1 =	seq.s32 s10, $0x1;
	s10 =	sld [smem:$0x3FAD];
	_ =	sdelay $0x3  }
0x37: {  	[smem:$0x3FAD] =	sst s10  }
0x38: {  	s10 =	sld [smem:$0x3FAE]  }
0x39: {  	_ = 	snop;
	(pc) =	sbr.ind lr, $3  }
0x3a: {  	_ = 	snop  }
0x3b: {  	_ = 	snop  }
0x3c: {  	p2 =	seq.s32 s10, $0x1;
	s10 =	sld [smem:$0x3FAD]  }
0x3d: {  	_ =	shalt  }
0x3e: {  	_ =	shalt  }
0x3f: {  	_ =	shalt  }
0x40: {  	_ =	shalt  }
0x41: {  	_ =	shalt  }
0x42: {  	_ =	shalt  }
0x43: {  	_ =	shalt  }
0x44: {  	_ =	shalt  }
0x45: {  	_ =	shalt  }
0x46: {  	_ =	shalt  }
0x47: {  	_ =	shalt  }
0x48: {  	_ =	shalt  }
0x49: {  	_ =	shalt  }
0x4a: {  	_ =	shalt  }
0x4b: {  	_ =	shalt  }
0x4c: {  	_ =	shalt  }
0x4d: {  	_ =	shalt  }
0x4e: {  	_ =	shalt  }
0x4f: {  	_ =	shalt  }
0x50: {  	_ =	shalt  }
0x51: {  	_ =	shalt  }
0x52: {  	_ =	shalt  }
0x53: {  	_ =	shalt  }
0x54: {  	_ =	shalt  }
0x55: {  	_ =	shalt  }
0x56: {  	_ =	shalt  }
0x57: {  	_ =	shalt  }
0x58: {  	_ =	shalt  }
0x59: {  	_ =	shalt  }
0x5a: {  	_ =	shalt  }
0x5b: {  	_ =	shalt  }
0x5c: {  	_ =	shalt  }
0x5d: {  	_ =	shalt  }
0x5e: {  	_ =	shalt  }
0x5f: {  	_ =	shalt  }
0x60: {  	_ =	shalt  }
0x61: {  	_ =	shalt  }
0x62: {  	_ =	shalt  }
0x63: {  	_ =	shalt  }
0x64: {  	_ =	shalt  }
0x65: {  	_ =	shalt  }
0x66: {  	_ =	shalt  }
0x67: {  	_ =	shalt  }
0x68: {  	_ =	shalt  }
0x69: {  	_ =	shalt  }
0x6a: {  	_ =	shalt  }
0x6b: {  	_ =	shalt  }
0x6c: {  	_ =	shalt  }
0x6d: {  	_ =	shalt  }
0x6e: {  	_ =	shalt  }
0x6f: {  	_ =	shalt  }
0x70: {  	_ =	shalt  }
0x71: {  	_ =	shalt  }
0x72: {  	_ =	shalt  }
0x73: {  	_ =	shalt  }
0x74: {  	_ =	shalt  }
0x75: {  	_ =	shalt  }
0x76: {  	_ =	shalt  }
0x77: {  	_ =	shalt  }
0x78: {  	_ =	shalt  }
0x79: {  	_ =	shalt  }
0x7a: {  	_ =	shalt  }
0x7b: {  	_ =	shalt  }
0x7c: {  	_ =	shalt  }
0x7d: {  	_ =	shalt  }
0x7e: {  	_ =	shalt  }
0x7f: {  	_ =	shalt  }
0x80: {  	_ =	shalt  }
0x81: {  	_ =	shalt  }
0x82: {  	_ =	shalt  }
0x83: {  	_ =	shalt  }
0x84: {  	_ =	shalt  }
0x85: {  	_ =	shalt  }
0x86: {  	_ =	shalt  }
0x87: {  	_ =	shalt  }
.Lfunc_end0:
.L_simem_size_0:
called_computation.1_lowered:
.L_overlay_start_0:
0x88: {  	s2 =	sld [smem:$0x3FD9]  }
0x89: {  	s3 =	sld [smem:$0x3FFE];
	_ =	sdelay $0x1  }
0x8a: {  	s1 =	srdreg.scid  }
0x8b: {  	s0 =	sand.u32 $0x1, s1  }
0x8c: {  	s17 =	sshll.u32 s0, $0xA;
	s2 =	sadd.s32 s3, s2  }
0x8d: {  	s2 =	sadd.s32 s2, s17  }
0x8e: {  	[smem:$0x3FB9] =	sst s2  }
0x8f: {  	_ = 	snop  }
0x90: {  	s2 =	sld [smem:$0x3FD0];
	(tm) =	ssettm $0x1  }
0x91: {  	s18 =	sld [smem:$0x3FFB];
	_ =	sdelay $0x3  }
0x92: {  	_ =	strace s18  }
0x93: {  	s3 =	sld [smem:$0x3FFC];
	_ =	sdelay $0x3  }
0x94: {  	_ =	strace s3  }
0x95: {  	s3 =	sld [smem:$0x3FFD];
	_ =	sdelay $0x3  }
0x96: {  	_ =	strace s3  }
0x97: {  	_ =	strace $0x8FFFFFFF  }
0x98: {  	s19 =	sld [smem:$0x3FDB];
	_ =	sdelay $0x1  }
0x99: {  	s4 =	simm.s32 $_scs_section_size  }
0x9a: {  	s5 =	simm.s32 $_size__tile_overlayer_lowered;
	s6 =	simm.s32 $_tile_overlayer_lowered  }
0x9b: {  	s22 =	simm.s32 $0x1BFF;
	s21 =	sshll.u32 s6, $0x1;
	s3 =	sadd.s32 s4, s19  }
0x9c: {  	s7 =	simm.s32 $0x0;
	s20 =	sshll.u32 s5, $0x1;
	s5 =	sadd.s32 s21, s3  }
0x9d: {  	[timem:s7], [sflag:s22] =	dma.local [hbm:s5], s20  }
0x9e: {  	_ =	swait.ge [sflag:s22], s20  }
0x9f: {  	s4 =	ssub.s32 $0x0, s20;
	[sflag:s22] =	ssyncset.done $0x0  }
0xa0: {  	[sflag:s22] =	ssyncadd.s32 s4;
	_ =	sdelay $0x1  }
0xa1: {  	s23 =	simm.s32 $0x1B8B  }
0xa2: {  	_ =	swait.ge [sflag:s23], $0x1  }
0xa3: {  	[sflag:s23] =	ssyncset.done $0x0  }
0xa4: {  	s25 =	simm.s32 $0x1B8E;
	s24 =	sld [smem:$0x3FFE];
	[sflag:s23] =	ssyncadd.s32 $0xFFFFFFFF  }
0xa5: {  	s26 =	simm.s32 $execute0_lowered;
	[smem:$0x3FD2] =	sst s25  }
0xa6: {  	s5 =	sshll.u32 s26, $0x1;
	_ =	strace $0x80000049;
	[dreg:$0x1] =	wrdreg $0xFFFFFFFF  }
0xa7: {  	s28 =	simm.s32 $_size_execute0_lowered;
	s3 =	sadd.s32 s3, s5;
	[dreg:$0x0] =	wrdreg $0x0  }
0xa8: {  	s5 =	sshll.u32 s28, $0x1;
	[dreg:$0x2] =	wrdreg s3  }
0xa9: {  	[dreg:$0x3] =	wrdreg s5  }
0xaa: {  	[dreg:$0x4] =	wrdreg $0xC0  }
0xab: {  	_ =	task [dreg:s7], $0x5FFFF  }
0xac: {  	[dreg:$0x1] =	wrdreg $0xFFFFFFFF  }
0xad: {  	[dreg:$0x0] =	wrdreg $0x60  }
0xae: {  	[dreg:$0x2] =	wrdreg s24  }
0xaf: {  	[dreg:$0x3] =	wrdreg s2  }
0xb0: {  	[dreg:$0x4] =	wrdreg $0x9000  }
0xb1: {  	[dreg:$0x5] =	wrdreg $0x9  }
0xb2: {  	_ =	task.clear_ibuf [dreg:s7], $0x6FFFF;
	_ =	strace $0x90000049  }
0xb3: {  	s29 =	simm.s32 $0x9;
	_ =	strace $0x8000004B  }
0xb4: {  	_ =	swait.ge [sflag:s29], $0x1  }
0xb5: {  	[sflag:s29] =	ssyncadd.s32 $0xFFFFFFFF  }
0xb6: {  	_ =	strace $0x9000004B  }
0xb7: {  	_ =	sfence  }
0xb8: {  	s30 =	sld [smem:$0x0];
	_ =	sdelay $0x2  }
0xb9: {  	s31 =	sshll.u32 s1, $0xD;
	s1 =	sshrl.u32 s1, $0x2  }
0xba: {  	s3 =	sand.u32 $0x4000, s31;
	s1 =	sadd.s32 s1, s30  }
0xbb: {  	s0 =	sor.u32 s3, s0;
	s1 =	sshll.u32 s1, $0x11  }
0xbc: {  	s0 =	sor.u32 s1, s0  }
0xbd: {  	s0 =	sadd.s32 $0x8F2B, s0  }
0xbe: {  	[sflag:s0] =	ssyncadd.remote.s32 $0x1  }
0xbf: {  	_ =	sfence.sel $0xFFFF  }
0xc0: {  	[dreg:$0x0] =	wrdreg $0xFFFFFFFF;
	(pc) =	sbr.abs _section_cstart, $3  }
0xc1: {  	[dreg:$0x1] =	wrdreg $0xFFFFFFFF  }
0xc2: {  	_ =	task.clear_ibuf [dreg:s7], $0x2FFFF;
	_ =	strace $0x9FFFFFFF  }
0xc3: {  	(tm) =	ssettm $0x7FFFFFFF  }
tec
execute0_lowered:
.L_overlay_start_1:
0x0: {  	(tag) =	ssettag $0x1  }
0x1: {  	s8 =	rddreg [dreg:$0x0]  }
0x2: {  	s5 =	rddreg [dreg:$0x1]  }
0x3: {  	s1 =	rddreg [dreg:$0x2]  }
0x4: {  	s0 =	rddreg [dreg:$0x3];
	s2 =	simm.s32 $0x0  }
0x5: {  	s3 =	srdreg.scid;
	s11 =	simm.s32 $0xC000;
	s12 =	simm.s32 $0x100  }
0x6: {  	s13 =	simm.s32 $0x1;
	s14 =	simm.s32 $0x500;
	s15 =	simm.s32 $0x3  }
0x7: {  	s16 =	simm.s32 $0x4;
	s17 =	simm.s32 $0x5;
	[smem:$0x7FF] =	sst s2  }
0x8: {  	s6 =	sand.u32 $0x1, s3;
	s4 =	sadd.s32 $0x4000, s8;
	s3 =	stileid.u32  }
0x9: {  	_ =	strace $0x8000004A;
	s7 =	ssub.s32 $0x2, s6;
	s10 =	sshll.u32 s6, $0x4  }
0xa: {  	p0 =	seq.s32 s6, $0x1;
	s9 =	sshrl.u32 s7, $0x1;
	s10 =	sor.u32 s3, s10  }
0xb: {  	s11 =	simm.s32 @!p0 $0x8000;
	s7 =	ssub.s32 s7, s9;
	s5 =	sadd.s32 s5, s10  }
0xc: {  	s8 =	sadd.s32 s11, s8;
	s9 =	simm.s32 $0x80;
	s10 =	simm.s32 $0x2  }
0xd: {  	v0 =	vimm.f32 $0.0e+00;
	s11 =	simm.s32 $0x8;
	s6 =	sadd.s32 $0x20, s5;
	s7 =	smax.u32 s7, $0x1  }
.LBB2_1:
0xe: {  	[tilespmem:s9], [sflag:$0x2] =	stream.linear.gather [hbm4b:s6+s2], $0x8, $0x38;
	[tilespmem:$0x2900] =	vst v63  }
0xf: {  	_ = 	snop  }
0x10: {  	[tilespmem:s2], [sflag:$0x1] =	stream.linear.gather [hbm4b:s5+s2], $0x8, $0x38;
	[tilespmem:$0x2900] =	vst v63  }
0x11: {  	[tilespmem:$0x100] =	vst v0  }
0x12: {  	[tilespmem:$0x110] =	vst v0  }
0x13: {  	[tilespmem:$0x120] =	vst v0  }
0x14: {  	[tilespmem:$0x130] =	vst v0  }
0x15: {  	[tilespmem:$0x140] =	vst v0  }
0x16: {  	[tilespmem:$0x150] =	vst v0  }
0x17: {  	[tilespmem:$0x160] =	vst v0  }
0x18: {  	[tilespmem:$0x170] =	vst v0  }
0x19: {  	[tilespmem:$0x180] =	vst v0  }
0x1a: {  	[tilespmem:$0x190] =	vst v0  }
0x1b: {  	[tilespmem:$0x1A0] =	vst v0  }
0x1c: {  	[tilespmem:$0x1B0] =	vst v0  }
0x1d: {  	[tilespmem:$0x1C0] =	vst v0  }
0x1e: {  	[tilespmem:$0x1D0] =	vst v0  }
0x1f: {  	[tilespmem:$0x1E0] =	vst v0  }
0x20: {  	[tilespmem:$0x1F0] =	vst v0  }
0x21: {  	[tilespmem:$0x200] =	vst v0  }
0x22: {  	[tilespmem:$0x210] =	vst v0  }
0x23: {  	[tilespmem:$0x220] =	vst v0  }
0x24: {  	[tilespmem:$0x230] =	vst v0  }
0x25: {  	[tilespmem:$0x240] =	vst v0  }
0x26: {  	[tilespmem:$0x250] =	vst v0  }
0x27: {  	[tilespmem:$0x260] =	vst v0  }
0x28: {  	[tilespmem:$0x270] =	vst v0  }
0x29: {  	[tilespmem:$0x280] =	vst v0  }
0x2a: {  	[tilespmem:$0x290] =	vst v0  }
0x2b: {  	[tilespmem:$0x2A0] =	vst v0  }
0x2c: {  	[tilespmem:$0x2B0] =	vst v0  }
0x2d: {  	[tilespmem:$0x2C0] =	vst v0  }
0x2e: {  	[tilespmem:$0x2D0] =	vst v0  }
0x2f: {  	[tilespmem:$0x2E0] =	vst v0  }
0x30: {  	[tilespmem:$0x2F0] =	vst v0  }
0x31: {  	[tilespmem:$0x300] =	vst v0  }
0x32: {  	[tilespmem:$0x310] =	vst v0  }
0x33: {  	[tilespmem:$0x320] =	vst v0  }
0x34: {  	[tilespmem:$0x330] =	vst v0  }
0x35: {  	[tilespmem:$0x340] =	vst v0  }
0x36: {  	[tilespmem:$0x350] =	vst v0  }
0x37: {  	[tilespmem:$0x360] =	vst v0  }
0x38: {  	[tilespmem:$0x370] =	vst v0  }
0x39: {  	[tilespmem:$0x380] =	vst v0  }
0x3a: {  	[tilespmem:$0x390] =	vst v0  }
0x3b: {  	[tilespmem:$0x3A0] =	vst v0  }
0x3c: {  	[tilespmem:$0x3B0] =	vst v0  }
0x3d: {  	[tilespmem:$0x3C0] =	vst v0  }
0x3e: {  	[tilespmem:$0x3D0] =	vst v0  }
0x3f: {  	[tilespmem:$0x3E0] =	vst v0  }
0x40: {  	[tilespmem:$0x3F0] =	vst v0  }
0x41: {  	[tilespmem:$0x400] =	vst v0  }
0x42: {  	[tilespmem:$0x410] =	vst v0  }
0x43: {  	[tilespmem:$0x420] =	vst v0  }
0x44: {  	[tilespmem:$0x430] =	vst v0  }
0x45: {  	[tilespmem:$0x440] =	vst v0  }
0x46: {  	[tilespmem:$0x450] =	vst v0  }
0x47: {  	[tilespmem:$0x460] =	vst v0  }
0x48: {  	[tilespmem:$0x470] =	vst v0  }
0x49: {  	[tilespmem:$0x480] =	vst v0  }
0x4a: {  	[tilespmem:$0x490] =	vst v0  }
0x4b: {  	[tilespmem:$0x4A0] =	vst v0  }
0x4c: {  	[tilespmem:$0x4B0] =	vst v0  }
0x4d: {  	[tilespmem:$0x4C0] =	vst v0  }
0x4e: {  	[tilespmem:$0x4D0] =	vst v0  }
0x4f: {  	[tilespmem:$0x4E0] =	vst v0  }
0x50: {  	[tilespmem:$0x4F0] =	vst v0  }
0x51: {  	_ =	swait.ge [sflag:s10], $0x8  }
0x52: {  	[sflag:s10] =	ssyncset.done $0x0  }
0x53: {  	[sflag:s10] =	ssyncadd.s32 $0xFFFFFFF8  }
0x54: {  	[spmem:s1] =	stream.indirect.scatter [tilespmem:s12], [sflag:$0x4], $0x80, s9, s11, $0xb8;
	[tilespmem:$0x2900] =	vst v63  }
0x55: {  	_ =	swait.ge [sflag:s13], $0x8  }
0x56: {  	[sflag:s13] =	ssyncset.done $0x0  }
0x57: {  	[sflag:s13] =	ssyncadd.s32 $0xFFFFFFF8  }
0x58: {  	[tilespmem:s14], [sflag:$0x3] =	stream.indirect.gather [hbm4b:s4+s11], $0x80, s2, s11, $0xb8;
	[tilespmem:$0x2900] =	vst v63  }
0x59: {  	_ =	swait.ge [sflag:s15], $0x400  }
0x5a: {  	[sflag:s15] =	ssyncset.done $0x0  }
0x5b: {  	[sflag:s15] =	ssyncadd.s32 $0xFFFFFC00  }
0x5c: {  	_ =	swait.ge [sflag:s16], $0x400  }
0x5d: {  	[sflag:s16] =	ssyncset.done $0x0  }
0x5e: {  	[sflag:s16] =	ssyncadd.s32 $0xFFFFFC00  }
0x5f: {  	[bflag:$0x0] =	sbarrier.arrive $0xFFFF  }
0x60: {  	[spmem:s1] =	stream.indirect.scatter.add.f32 [tilespmem:s14], [sflag:$0x5], $0x80, s9, s11, $0xb8;
	[tilespmem:$0x2900] =	vst v63  }
0x61: {  	_ =	swait.ge [sflag:s17], $0x400  }
0x62: {  	[sflag:s17] =	ssyncset.done $0x0  }
0x63: {  	[sflag:s17] =	ssyncadd.s32 $0xFFFFFC00  }
0x64: {  	[bflag:$0x0] =	sbarrier.arrive $0xFFFF  }
0x65: {  	[tilespmem:s14], [sflag:$0x3] =	stream.indirect.gather [spmem:s1], $0x80, s9, s11, $0xb8;
	[tilespmem:$0x2900] =	vst v63  }
0x66: {  	_ =	swait.ge [sflag:s15], $0x400  }
0x67: {  	p0 =	sne.s32 s7, $0x1;
	[sflag:s15] =	ssyncset.done $0x0  }
.Ltmp0:
0x68: {  	[sflag:s15] =	ssyncadd.s32 $0xFFFFFC00;
	(pc) =	sbr.rel @p0 .LBB2_1-.Ltmp0, $4  }
0x69: {  	[hbm4b:s8+s11] =	stream.indirect.scatter [tilespmem:s14], [sflag:$0x5], $0x80, s9, s11, $0xb8;
	[tilespmem:$0x2900] =	vst v63  }
0x6a: {  	_ =	swait.ge [sflag:s17], $0x400  }
0x6b: {  	[sflag:s17] =	ssyncset.done $0x0  }
0x6c: {  	s7 =	sadd.s32 $0xFFFFFFFF, s7;
	[sflag:s17] =	ssyncadd.s32 $0xFFFFFC00  }
0x6d: {  	_ =	sfence.sel $0x180000  }
0x6e: {  	[bflag:$0x0] =	sbarrier.arrive $0xFFFF  }
0x6f: {  	p0 =	sne.s32 s3, $0x0;
	_ =	strace $0x9000004A  }
0x70: {  	s0 =	sadd.s32 @!p0 $0x100000, s0;
	[bflag:$0x2] =	sbarrier.arrive $0xFFFF  }
0x71: {  	[sflag:s0] =	ssyncadd.tile.s32 @!p0 $0x1;
	_ =	shalt  }
.Lfunc_end2:
_tile_overlayer_lowered:
.L_overlay_start_2:
0x72: {  	(tag) =	ssettag $0x2  }
0x73: {  	s0 =	rddreg [dreg:$0x0];
	s2 =	stileid.u32  }
0x74: {  	s1 =	rddreg [dreg:$0x1];
	p0 =	sne.s32 s2, $0x0  }
0x75: {  	s3 =	rddreg [dreg:$0x2];
	[bflag:$0x3] =	sbarrier.arrive $0xFFFF;
	s2 =	simm.s32 @!p0 $0x1C05  }
0x76: {  	[timem:s3], [sflag:s2] =	dma.local @!p0 [hbm:s0], s1  }
0x77: {  	s0 =	simm.s32 @!p0 $0x5  }
0x78: {  	_ =	swait.ge @!p0 [sflag:s0], s1  }
0x79: {  	s1 =	ssub.s32 @!p0 $0x0, s1;
	[sflag:s0] =	ssyncset.done @!p0 $0x0  }
0x7a: {  	[sflag:s0] =	ssyncadd.s32 @!p0 s1  }
0x7b: {  	[bflag:$0x3] =	sbarrier.arrive $0xFFFF  }
0x7c: {  	_ =	shalt  }

</sc_bundles>
